<compile_context>
chip_gen: v7x
topology: tpu7x:2x2x1
jax: 0.10.2.dev20260603
libtpu: 0.0.44.dev20260713+nightly
codegen_flags: <defaults>
</compile_context>

<pallas_src>
import functools

import jax
import jax.numpy as jnp
from jax import lax
from jax.experimental import pallas as pl
from jax.experimental.pallas import tpu as pltpu
from jax.experimental.pallas import tpu_sc as plsc

B, T, D, M = 8, 512, 256, 1024
NB = 256
N = B * T
GRID = N // NB
BLOCKS_PER_ROW = T // NB

SC_CORES = 2
SC_SUBCORES = 16
SC_WORKERS = SC_CORES * SC_SUBCORES
ROWS_PER_WORKER = N // SC_WORKERS


def _main_body(row, x_ref, emb_ref, se_ref, idx_ref, ph_ref, cnt_ref):
    i = pl.program_id(0)
    x = x_ref[...]
    e_half = emb_ref[...]
    se_row = se_ref[row:row + 1, :]

    iotaf = lax.broadcasted_iota(jnp.int32, (NB, M), 1).astype(jnp.float32)

    sf = jnp.sum(x * x, axis=1, keepdims=True)
    p = lax.dot_general(x, e_half, (((1,), (1,)), ((), ())),
                        preferred_element_type=jnp.float32)
    d = (se_row + sf) - 2.0 * p

    dc = jnp.maximum(d, 0.0)
    es = jnp.exp2((-1.4426950408889634) * (dc * lax.rsqrt(dc + 1e-35)))
    ph = es * (1.0 / jnp.sum(es, axis=1, keepdims=True))
    ph_part = jnp.sum(ph, axis=0, keepdims=True)

    dmin = jnp.min(d, axis=1, keepdims=True)
    idx2 = jnp.where(d == dmin, iotaf, float(M))
    mi = jnp.min(idx2, axis=1, keepdims=True)
    idx_ref[...] = mi.astype(jnp.int32)
    oh = (iotaf == mi).astype(jnp.float32)
    ones = jnp.ones((NB, 1), jnp.float32)
    cnt_part = lax.dot_general(ones, oh, (((0,), (0,)), ((), ())),
                               preferred_element_type=jnp.float32)

    first = (i % BLOCKS_PER_ROW) == 0

    @pl.when(first)
    def _():
        ph_ref[...] = ph_part.reshape(1, 1, M)
        cnt_ref[...] = cnt_part.reshape(1, 1, M)

    @pl.when(jnp.logical_not(first))
    def _():
        ph_ref[...] += ph_part.reshape(1, 1, M)
        cnt_ref[...] += cnt_part.reshape(1, 1, M)


def _run_main(flat, e_half, se2, row):
    f32 = jnp.float32
    return pl.pallas_call(
        functools.partial(_main_body, row),
        grid=(GRID,),
        in_specs=[
            pl.BlockSpec((NB, D), lambda i: (i, 0)),
            pl.BlockSpec((M, D), lambda i: (0, 0)),
            pl.BlockSpec((2, M), lambda i: (0, 0)),
        ],
        out_specs=[
            pl.BlockSpec((NB, 1), lambda i: (i, 0)),
            pl.BlockSpec((1, 1, M), lambda i: (i // BLOCKS_PER_ROW, 0, 0)),
            pl.BlockSpec((1, 1, M), lambda i: (i // BLOCKS_PER_ROW, 0, 0)),
        ],
        out_shape=[
            jax.ShapeDtypeStruct((N, 1), jnp.int32),
            jax.ShapeDtypeStruct((B, 1, M), f32),
            jax.ShapeDtypeStruct((B, 1, M), f32),
        ],
    )(flat, e_half, se2)


def _sc_gather_body(qoff, idx_hbm, table_hbm, out_hbm, q_hbm,
                    idx_v, rows_v, sem):
    wid = lax.axis_index("s") * SC_CORES + lax.axis_index("c")
    base = wid * ROWS_PER_WORKER
    rows = pl.ds(base, ROWS_PER_WORKER)
    pltpu.sync_copy(idx_hbm.at[rows], idx_v)
    pltpu.async_copy(table_hbm.at[idx_v], rows_v, sem).wait()
    pltpu.sync_copy(rows_v, out_hbm.at[rows])
    pltpu.sync_copy(rows_v.at[:, pl.ds(qoff, D)], q_hbm.at[rows])


def _run_sc_gather(idx, embedding, qoff):
    f32 = jnp.float32
    gather = pl.kernel(
        functools.partial(_sc_gather_body, qoff),
        mesh=plsc.VectorSubcoreMesh(core_axis_name="c", subcore_axis_name="s"),
        out_type=[
            jax.ShapeDtypeStruct((N, 2 * D), f32),
            jax.ShapeDtypeStruct((N, D), f32),
        ],
        scratch_types=[
            pltpu.VMEM((ROWS_PER_WORKER,), jnp.int32),
            pltpu.VMEM((ROWS_PER_WORKER, 2 * D), f32),
            pltpu.SemaphoreType.DMA,
        ],
    )
    return gather(idx, embedding)


def _epilogue_body(phv_ref, pha_ref, cntv_ref, cnta_ref, mw_ref,
                   lc_ref, eq_ref, mwv_ref, mwa_ref):
    epsilon = 1e-5
    v_pH = phv_ref[...] * (1.0 / T)
    a_pH = pha_ref[...] * (1.0 / T)

    log_v = jnp.log(v_pH + 1e-10)
    log_a = jnp.log(a_pH + 1e-10)
    dn = (((1,), (1,)), ((), ()))
    scode = (lax.dot_general(a_pH, log_v, dn,
                             preferred_element_type=jnp.float32,
                             precision=lax.Precision.HIGHEST)
             + lax.dot_general(v_pH, log_a, dn,
                               preferred_element_type=jnp.float32,
                               precision=lax.Precision.HIGHEST))
    max_scode = jnp.max(-scode)
    escode = jnp.exp(scode + max_scode)
    esum = jnp.sum(escode, axis=1, keepdims=True)
    r = lax.broadcasted_iota(jnp.int32, (B, B), 0)
    c = lax.broadcasted_iota(jnp.int32, (B, B), 1)
    diag = jnp.sum(jnp.where(r == c, escode, 0.0), axis=1, keepdims=True)
    lc = -jnp.mean(jnp.log(diag / (esum + epsilon)), axis=0, keepdims=True)
    lc_ref[...] = lc

    iota_m = lax.broadcasted_iota(jnp.int32, (B, M), 1)
    cv = cntv_ref[...]
    ca = cnta_ref[...]
    vmax = jnp.max(cv, axis=1, keepdims=True)
    amax = jnp.max(ca, axis=1, keepdims=True)
    vmode = jnp.min(jnp.where(cv == vmax, iota_m, M), axis=1, keepdims=True)
    amode = jnp.min(jnp.where(ca == amax, iota_m, M), axis=1, keepdims=True)
    eq_ref[...] = jnp.sum((vmode == amode).astype(jnp.int32),
                          axis=0, keepdims=True)

    w = mw_ref[...]
    wv = w[:, 0:2]
    wa = w[:, 2:4]
    wv = wv - jnp.max(wv, axis=1, keepdims=True)
    wa = wa - jnp.max(wa, axis=1, keepdims=True)
    ev = jnp.exp(wv)
    ea = jnp.exp(wa)
    mwv_ref[...] = ev / jnp.sum(ev, axis=1, keepdims=True)
    mwa_ref[...] = ea / jnp.sum(ea, axis=1, keepdims=True)


def kernel(audio_semantic, video_semantic, embedding, modality_weights, epoch):
    del epoch
    a_flat = audio_semantic.reshape(-1, D)
    v_flat = video_semantic.reshape(-1, D)
    ev = embedding[:, :D]
    ea = embedding[:, D:]
    sev = jnp.sum(embedding[:, :D] ** 2, axis=1).reshape(1, M)
    sea = jnp.sum(embedding[:, D:] ** 2, axis=1).reshape(1, M)
    se2 = jnp.concatenate([sev, sea], axis=0)

    f32 = jnp.float32
    vidx, phv, cntv = _run_main(v_flat, ev, se2, 0)
    vfull, vq = _run_sc_gather(vidx.reshape(N), embedding, 0)
    aidx, pha, cnta = _run_main(a_flat, ea, se2, 1)
    afull, aq = _run_sc_gather(aidx.reshape(N), embedding, D)
    phv, pha, cntv, cnta = (x.reshape(B, M) for x in (phv, pha, cntv, cnta))

    lc, eq, mwv, mwa = pl.pallas_call(
        _epilogue_body,
        grid=(1,),
        in_specs=[
            pl.BlockSpec((B, M), lambda i: (0, 0)),
            pl.BlockSpec((B, M), lambda i: (0, 0)),
            pl.BlockSpec((B, M), lambda i: (0, 0)),
            pl.BlockSpec((B, M), lambda i: (0, 0)),
            pl.BlockSpec((M, 4), lambda i: (0, 0)),
        ],
        out_specs=[
            pl.BlockSpec((1, 1), lambda i: (0, 0)),
            pl.BlockSpec((1, 1), lambda i: (0, 0)),
            pl.BlockSpec((M, 2), lambda i: (0, 0)),
            pl.BlockSpec((M, 2), lambda i: (0, 0)),
        ],
        out_shape=[
            jax.ShapeDtypeStruct((1, 1), f32),
            jax.ShapeDtypeStruct((1, 1), jnp.int32),
            jax.ShapeDtypeStruct((M, 2), f32),
            jax.ShapeDtypeStruct((M, 2), f32),
        ],
    )(phv, pha, cntv, cnta, modality_weights)

    v_full_vectors = vfull.reshape(B, T, 2 * D)
    a_full_vectors = afull.reshape(B, T, 2 * D)
    v_quantized = vq.reshape(B, T, D)
    a_quantized = aq.reshape(B, T, D)
    return (v_full_vectors, a_full_vectors, v_quantized, a_quantized,
            lc.reshape(()), eq.reshape(()), mwv, mwa)

# --- scband reference (transcript-rebuilt; emitter-appended) ---
"""Pipeline reference for scband-cross-vqembedding-ema-av-hierarchical-1-43044162240534 (READ-ONLY COPY).

The authoritative reference and input builder live on the scoring server;
editing this copy changes nothing except your own understanding.
"""

import jax, jax.numpy as jnp
import numpy as np
import math


def setup_inputs(seed: int = 0) -> dict:
    key = jax.random.key(seed)
    k1, k2, k3 = jax.random.split(key, 3)
    B, T, D, M = 8, 512, 256, 1024
    audio_semantic = jax.random.normal(k1, (B, T, D), dtype=jnp.float32)
    video_semantic = jax.random.normal(k2, (B, T, D), dtype=jnp.float32)
    init_bound = 1.0 / M
    embedding = jax.random.uniform(k3, (M, 2 * D), minval=-init_bound, maxval=init_bound, dtype=jnp.float32)
    log_ratio = math.log(0.8 / 0.2)
    mw = np.zeros((M, 4), dtype=np.float32)
    mw[:, 0] = log_ratio
    mw[:, 3] = log_ratio
    modality_weights = jnp.asarray(mw)
    return {"audio_semantic": audio_semantic, "video_semantic": video_semantic, "embedding": embedding, "modality_weights": modality_weights, "epoch": 0}


def _pairwise_sq_dist(flat, emb):
    # torch.addmm(sum(emb^2) + sum(flat^2, keepdim), flat, emb.T, alpha=-2, beta=1)
    return jnp.sum(emb ** 2, axis=1)[None, :] + jnp.sum(flat ** 2, axis=1, keepdims=True) - 2.0 * (flat @ emb.T)


def reference(audio_semantic, video_semantic, embedding, modality_weights, epoch):
    M, D_total = embedding.shape
    B, T, D = audio_semantic.shape
    epsilon = 1e-05
    modal_weights_video = jax.nn.softmax(modality_weights[:, 0:2], axis=1)
    modal_weights_audio = jax.nn.softmax(modality_weights[:, 2:4], axis=1)
    a_flat = jax.lax.stop_gradient(audio_semantic).reshape(-1, D)
    v_flat = jax.lax.stop_gradient(video_semantic).reshape(-1, D)
    video_embedding = embedding[:, :D]
    audio_embedding = embedding[:, D:]
    v_distances = _pairwise_sq_dist(v_flat, video_embedding)
    a_distances = _pairwise_sq_dist(a_flat, audio_embedding)
    v_distances_gradient = _pairwise_sq_dist(video_semantic.reshape(-1, D), video_embedding)
    a_distances_gradient = _pairwise_sq_dist(audio_semantic.reshape(-1, D), audio_embedding)
    v_ph = jax.nn.softmax(-jnp.sqrt(jnp.maximum(v_distances_gradient, 0.0)), axis=1)
    a_ph = jax.nn.softmax(-jnp.sqrt(jnp.maximum(a_distances_gradient, 0.0)), axis=1)
    v_ph = v_ph.reshape(B, T, M)
    a_ph = a_ph.reshape(B, T, M)
    v_pH = jnp.mean(v_ph, axis=1)
    a_pH = jnp.mean(a_ph, axis=1)
    Scode = a_pH @ jnp.log(v_pH.T + 1e-10) + v_pH @ jnp.log(a_pH.T + 1e-10)
    MaxScode = jnp.max(-Scode)
    EScode = jnp.exp(Scode + MaxScode)
    EScode_sumdim1 = jnp.sum(EScode, axis=1)
    Lcmcm_av = -jnp.mean(jnp.log(jnp.diag(EScode) / (EScode_sumdim1 + epsilon)))
    v_indices = jnp.argmin(v_distances, axis=-1)
    a_indices = jnp.argmin(a_distances, axis=-1)
    v_quantized_segment = jnp.take(video_embedding, v_indices, axis=0).reshape(B, T, D)
    a_quantized_segment = jnp.take(audio_embedding, a_indices, axis=0).reshape(B, T, D)
    v_quantized = video_semantic + jax.lax.stop_gradient(v_quantized_segment - video_semantic)
    a_quantized = audio_semantic + jax.lax.stop_gradient(a_quantized_segment - audio_semantic)
    v_full_vectors = jnp.take(embedding, v_indices, axis=0).reshape(B, T, D_total)
    a_full_vectors = jnp.take(embedding, a_indices, axis=0).reshape(B, T, D_total)
    # torch.mode over T: most frequent code per batch row, smallest value on ties
    v_counts = jnp.sum(jax.nn.one_hot(v_indices.reshape(B, T), M), axis=1)
    a_counts = jnp.sum(jax.nn.one_hot(a_indices.reshape(B, T), M), axis=1)
    v_mode = jnp.argmax(v_counts, axis=-1)
    a_mode = jnp.argmax(a_counts, axis=-1)
    equal_num = jnp.sum(v_mode == a_mode)
    return (v_full_vectors, a_full_vectors, v_quantized, a_quantized, Lcmcm_av, equal_num, modal_weights_video, modal_weights_audio)

if __name__ == "__main__":
    import jax
    _d = setup_inputs()
    print(jax.jit(kernel)(*tuple(_d.values())))

</pallas_src>

<mosaic_0001>
#map = affine_map<(d0, d1) -> (0)>
#map1 = affine_map<(d0, d1) -> (0, 0)>
module attributes {stable_mosaic.version = 14 : i64} {
  func.func @_sc_gather_body(%arg0: i32, %arg1: i32, %arg2: memref<4096xi32, #tpu.memory_space<hbm>>, %arg3: memref<1024x512xf32, #tpu.memory_space<hbm>>, %arg4: memref<4096x512xf32, #tpu.memory_space<hbm>>, %arg5: memref<4096x256xf32, #tpu.memory_space<hbm>>, %arg6: memref<128xi32, #tpu.memory_space<vmem>>, %arg7: memref<128x512xf32, #tpu.memory_space<vmem>>, %arg8: memref<!tpu.dma_semaphore, #tpu.memory_space<semaphore_mem>>) attributes {dimension_semantics = [#tpu.dimension_semantics<core_parallel>, #tpu.dimension_semantics<subcore_parallel>], iteration_bounds = array<i64: 2, 16>, scalar_prefetch = 0 : i64, scratch_operands = 3 : i64, tpu.core_type = #tpu.core_type<sc_vector_subcore>, window_params = [{transform_indices = #map}, {transform_indices = #map1}, {transform_indices = #map1}, {transform_indices = #map1}]} {
    %mul3A = arith.constant 2 : i32
    %mul3A_0 = arith.muli %arg1, %mul3A : i32
    %add3A = arith.addi %mul3A_0, %arg0 : i32
    %mul3A_1 = arith.constant 128 : i32
    %mul3A_2 = arith.muli %add3A, %mul3A_1 : i32
    "tpu.region"() ({
      %run_scoped3A = tpu.sem_alloc : memref<!tpu.dma_semaphore, #tpu.memory_space<semaphore_mem>>
      %dma_start3A_7 = tpu.memref_slice %arg2[%mul3A_2] : memref<4096xi32, #tpu.memory_space<hbm>> -> memref<128xi32, #tpu.memory_space<hbm>>
      %dma_start3A_8 = tpu.memref_slice %arg2[%mul3A_2] : memref<4096xi32, #tpu.memory_space<hbm>> -> memref<128xi32, #tpu.memory_space<hbm>>
      tpu.enqueue_dma source(%dma_start3A_8 : memref<128xi32, #tpu.memory_space<hbm>>) target(%arg6 : memref<128xi32, #tpu.memory_space<vmem>>) target_semaphore(%run_scoped3A : memref<!tpu.dma_semaphore, #tpu.memory_space<semaphore_mem>>)
      %dma_wait3A_9 = tpu.memref_slice %arg2[%mul3A_2] : memref<4096xi32, #tpu.memory_space<hbm>> -> memref<128xi32, #tpu.memory_space<hbm>>
      %dma_wait3A_10 = tpu.memref_slice %arg2[%mul3A_2] : memref<4096xi32, #tpu.memory_space<hbm>> -> memref<128xi32, #tpu.memory_space<hbm>>
      tpu.wait_dma2 semaphore(%run_scoped3A : memref<!tpu.dma_semaphore, #tpu.memory_space<semaphore_mem>>) src(%dma_wait3A_10 : memref<128xi32, #tpu.memory_space<hbm>>) dst(%arg6 : memref<128xi32, #tpu.memory_space<vmem>>)
      tpu.yield
    }) : () -> ()
    %dma_start3A = arith.constant 0 : i32
    %dma_start3A_3 = arith.constant 0 : i32
    %dma_start3A_4 = tpu.memref_slice %arg3[%dma_start3A, %dma_start3A_3] : memref<1024x512xf32, #tpu.memory_space<hbm>> -> memref<1024x512xf32, #tpu.memory_space<hbm>>
    tpu.enqueue_indirect_dma source(%dma_start3A_4 : memref<1024x512xf32, #tpu.memory_space<hbm>>) target(%arg7 : memref<128x512xf32, #tpu.memory_space<vmem>>) offsets(%arg6 : memref<128xi32, #tpu.memory_space<vmem>>) semaphore(%arg8 : memref<!tpu.dma_semaphore, #tpu.memory_space<semaphore_mem>>)
    %dma_wait3A = arith.constant 0 : i32
    %dma_wait3A_5 = arith.constant 0 : i32
    %dma_wait3A_6 = tpu.memref_slice %arg3[%dma_wait3A, %dma_wait3A_5] : memref<1024x512xf32, #tpu.memory_space<hbm>> -> memref<1024x512xf32, #tpu.memory_space<hbm>>
    tpu.wait_indirect_dma semaphore(%arg8 : memref<!tpu.dma_semaphore, #tpu.memory_space<semaphore_mem>>) src(%dma_wait3A_6 : memref<1024x512xf32, #tpu.memory_space<hbm>>) dst(%arg7 : memref<128x512xf32, #tpu.memory_space<vmem>>)
    "tpu.region"() ({
      %run_scoped3A = tpu.sem_alloc : memref<!tpu.dma_semaphore, #tpu.memory_space<semaphore_mem>>
      %dma_start3A_7 = arith.constant 0 : i32
      %dma_start3A_8 = tpu.memref_slice %arg4[%mul3A_2, %dma_start3A_7] : memref<4096x512xf32, #tpu.memory_space<hbm>> -> memref<128x512xf32, #tpu.memory_space<hbm>>
      %dma_start3A_9 = arith.constant 0 : i32
      %dma_start3A_10 = tpu.memref_slice %arg4[%mul3A_2, %dma_start3A_9] : memref<4096x512xf32, #tpu.memory_space<hbm>> -> memref<128x512xf32, #tpu.memory_space<hbm>>
      tpu.enqueue_dma source(%arg7 : memref<128x512xf32, #tpu.memory_space<vmem>>) target(%dma_start3A_10 : memref<128x512xf32, #tpu.memory_space<hbm>>) target_semaphore(%run_scoped3A : memref<!tpu.dma_semaphore, #tpu.memory_space<semaphore_mem>>)
      %dma_wait3A_11 = arith.constant 0 : i32
      %dma_wait3A_12 = tpu.memref_slice %arg4[%mul3A_2, %dma_wait3A_11] : memref<4096x512xf32, #tpu.memory_space<hbm>> -> memref<128x512xf32, #tpu.memory_space<hbm>>
      %dma_wait3A_13 = arith.constant 0 : i32
      %dma_wait3A_14 = tpu.memref_slice %arg4[%mul3A_2, %dma_wait3A_13] : memref<4096x512xf32, #tpu.memory_space<hbm>> -> memref<128x512xf32, #tpu.memory_space<hbm>>
      tpu.wait_dma2 semaphore(%run_scoped3A : memref<!tpu.dma_semaphore, #tpu.memory_space<semaphore_mem>>) src(%arg7 : memref<128x512xf32, #tpu.memory_space<vmem>>) dst(%dma_wait3A_14 : memref<128x512xf32, #tpu.memory_space<hbm>>)
      tpu.yield
    }) : () -> ()
    "tpu.region"() ({
      %run_scoped3A = tpu.sem_alloc : memref<!tpu.dma_semaphore, #tpu.memory_space<semaphore_mem>>
      %dma_start3A_7 = arith.constant 0 : i32
      %dma_start3A_8 = arith.constant 256 : i32
      %dma_start3A_9 = tpu.memref_slice %arg7[%dma_start3A_7, %dma_start3A_8] : memref<128x512xf32, #tpu.memory_space<vmem>> -> memref<128x256xf32, #tpu.memory_space<vmem>>
      %dma_start3A_10 = arith.constant 0 : i32
      %dma_start3A_11 = tpu.memref_slice %arg5[%mul3A_2, %dma_start3A_10] : memref<4096x256xf32, #tpu.memory_space<hbm>> -> memref<128x256xf32, #tpu.memory_space<hbm>>
      %dma_start3A_12 = arith.constant 0 : i32
      %dma_start3A_13 = tpu.memref_slice %arg5[%mul3A_2, %dma_start3A_12] : memref<4096x256xf32, #tpu.memory_space<hbm>> -> memref<128x256xf32, #tpu.memory_space<hbm>>
      %dma_start3A_14 = arith.constant 0 : i32
      %dma_start3A_15 = arith.constant 256 : i32
      %dma_start3A_16 = tpu.memref_slice %arg7[%dma_start3A_14, %dma_start3A_15] : memref<128x512xf32, #tpu.memory_space<vmem>> -> memref<128x256xf32, #tpu.memory_space<vmem>>
      tpu.enqueue_dma source(%dma_start3A_16 : memref<128x256xf32, #tpu.memory_space<vmem>>) target(%dma_start3A_13 : memref<128x256xf32, #tpu.memory_space<hbm>>) target_semaphore(%run_scoped3A : memref<!tpu.dma_semaphore, #tpu.memory_space<semaphore_mem>>)
      %dma_wait3A_17 = arith.constant 0 : i32
      %dma_wait3A_18 = arith.constant 256 : i32
      %dma_wait3A_19 = tpu.memref_slice %arg7[%dma_wait3A_17, %dma_wait3A_18] : memref<128x512xf32, #tpu.memory_space<vmem>> -> memref<128x256xf32, #tpu.memory_space<vmem>>
      %dma_wait3A_20 = arith.constant 0 : i32
      %dma_wait3A_21 = tpu.memref_slice %arg5[%mul3A_2, %dma_wait3A_20] : memref<4096x256xf32, #tpu.memory_space<hbm>> -> memref<128x256xf32, #tpu.memory_space<hbm>>
      %dma_wait3A_22 = arith.constant 0 : i32
      %dma_wait3A_23 = tpu.memref_slice %arg5[%mul3A_2, %dma_wait3A_22] : memref<4096x256xf32, #tpu.memory_space<hbm>> -> memref<128x256xf32, #tpu.memory_space<hbm>>
      %dma_wait3A_24 = arith.constant 0 : i32
      %dma_wait3A_25 = arith.constant 256 : i32
      %dma_wait3A_26 = tpu.memref_slice %arg7[%dma_wait3A_24, %dma_wait3A_25] : memref<128x512xf32, #tpu.memory_space<vmem>> -> memref<128x256xf32, #tpu.memory_space<vmem>>
      tpu.wait_dma2 semaphore(%run_scoped3A : memref<!tpu.dma_semaphore, #tpu.memory_space<semaphore_mem>>) src(%dma_wait3A_26 : memref<128x256xf32, #tpu.memory_space<vmem>>) dst(%dma_wait3A_23 : memref<128x256xf32, #tpu.memory_space<hbm>>)
      tpu.yield
    }) : () -> ()
    return
  }
}

#map = affine_map<(d0, d1) -> (0)>
#map1 = affine_map<(d0, d1) -> (0, 0)>
module attributes {stable_mosaic.version = 14 : i64} {
  func.func @_sc_gather_body(%arg0: i32, %arg1: i32, %arg2: memref<4096xi32, #tpu.memory_space<hbm>>, %arg3: memref<1024x512xf32, #tpu.memory_space<hbm>>, %arg4: memref<4096x512xf32, #tpu.memory_space<hbm>>, %arg5: memref<4096x256xf32, #tpu.memory_space<hbm>>, %arg6: memref<128xi32, #tpu.memory_space<vmem>>, %arg7: memref<128x512xf32, #tpu.memory_space<vmem>>, %arg8: memref<!tpu.dma_semaphore, #tpu.memory_space<semaphore_mem>>) attributes {dimension_semantics = [#tpu.dimension_semantics<core_parallel>, #tpu.dimension_semantics<subcore_parallel>], iteration_bounds = array<i64: 2, 16>, scalar_prefetch = 0 : i64, scratch_operands = 3 : i64, tpu.core_type = #tpu.core_type<sc_vector_subcore>, window_params = [{transform_indices = #map}, {transform_indices = #map1}, {transform_indices = #map1}, {transform_indices = #map1}]} {
    %mul3A = arith.constant 2 : i32
    %mul3A_0 = arith.muli %arg1, %mul3A : i32
    %add3A = arith.addi %mul3A_0, %arg0 : i32
    %mul3A_1 = arith.constant 128 : i32
    %mul3A_2 = arith.muli %add3A, %mul3A_1 : i32
    "tpu.region"() ({
      %run_scoped3A = tpu.sem_alloc : memref<!tpu.dma_semaphore, #tpu.memory_space<semaphore_mem>>
      %dma_start3A_7 = tpu.memref_slice %arg2[%mul3A_2] : memref<4096xi32, #tpu.memory_space<hbm>> -> memref<128xi32, #tpu.memory_space<hbm>>
      %dma_start3A_8 = tpu.memref_slice %arg2[%mul3A_2] : memref<4096xi32, #tpu.memory_space<hbm>> -> memref<128xi32, #tpu.memory_space<hbm>>
      tpu.enqueue_dma source(%dma_start3A_8 : memref<128xi32, #tpu.memory_space<hbm>>) target(%arg6 : memref<128xi32, #tpu.memory_space<vmem>>) target_semaphore(%run_scoped3A : memref<!tpu.dma_semaphore, #tpu.memory_space<semaphore_mem>>)
      %dma_wait3A_9 = tpu.memref_slice %arg2[%mul3A_2] : memref<4096xi32, #tpu.memory_space<hbm>> -> memref<128xi32, #tpu.memory_space<hbm>>
      %dma_wait3A_10 = tpu.memref_slice %arg2[%mul3A_2] : memref<4096xi32, #tpu.memory_space<hbm>> -> memref<128xi32, #tpu.memory_space<hbm>>
      tpu.wait_dma2 semaphore(%run_scoped3A : memref<!tpu.dma_semaphore, #tpu.memory_space<semaphore_mem>>) src(%dma_wait3A_10 : memref<128xi32, #tpu.memory_space<hbm>>) dst(%arg6 : memref<128xi32, #tpu.memory_space<vmem>>)
      tpu.yield
    }) : () -> ()
    %dma_start3A = arith.constant 0 : i32
    %dma_start3A_3 = arith.constant 0 : i32
    %dma_start3A_4 = tpu.memref_slice %arg3[%dma_start3A, %dma_start3A_3] : memref<1024x512xf32, #tpu.memory_space<hbm>> -> memref<1024x512xf32, #tpu.memory_space<hbm>>
    tpu.enqueue_indirect_dma source(%dma_start3A_4 : memref<1024x512xf32, #tpu.memory_space<hbm>>) target(%arg7 : memref<128x512xf32, #tpu.memory_space<vmem>>) offsets(%arg6 : memref<128xi32, #tpu.memory_space<vmem>>) semaphore(%arg8 : memref<!tpu.dma_semaphore, #tpu.memory_space<semaphore_mem>>)
    %dma_wait3A = arith.constant 0 : i32
    %dma_wait3A_5 = arith.constant 0 : i32
    %dma_wait3A_6 = tpu.memref_slice %arg3[%dma_wait3A, %dma_wait3A_5] : memref<1024x512xf32, #tpu.memory_space<hbm>> -> memref<1024x512xf32, #tpu.memory_space<hbm>>
    tpu.wait_indirect_dma semaphore(%arg8 : memref<!tpu.dma_semaphore, #tpu.memory_space<semaphore_mem>>) src(%dma_wait3A_6 : memref<1024x512xf32, #tpu.memory_space<hbm>>) dst(%arg7 : memref<128x512xf32, #tpu.memory_space<vmem>>)
    "tpu.region"() ({
      %run_scoped3A = tpu.sem_alloc : memref<!tpu.dma_semaphore, #tpu.memory_space<semaphore_mem>>
      %dma_start3A_7 = arith.constant 0 : i32
      %dma_start3A_8 = tpu.memref_slice %arg4[%mul3A_2, %dma_start3A_7] : memref<4096x512xf32, #tpu.memory_space<hbm>> -> memref<128x512xf32, #tpu.memory_space<hbm>>
      %dma_start3A_9 = arith.constant 0 : i32
      %dma_start3A_10 = tpu.memref_slice %arg4[%mul3A_2, %dma_start3A_9] : memref<4096x512xf32, #tpu.memory_space<hbm>> -> memref<128x512xf32, #tpu.memory_space<hbm>>
      tpu.enqueue_dma source(%arg7 : memref<128x512xf32, #tpu.memory_space<vmem>>) target(%dma_start3A_10 : memref<128x512xf32, #tpu.memory_space<hbm>>) target_semaphore(%run_scoped3A : memref<!tpu.dma_semaphore, #tpu.memory_space<semaphore_mem>>)
      %dma_wait3A_11 = arith.constant 0 : i32
      %dma_wait3A_12 = tpu.memref_slice %arg4[%mul3A_2, %dma_wait3A_11] : memref<4096x512xf32, #tpu.memory_space<hbm>> -> memref<128x512xf32, #tpu.memory_space<hbm>>
      %dma_wait3A_13 = arith.constant 0 : i32
      %dma_wait3A_14 = tpu.memref_slice %arg4[%mul3A_2, %dma_wait3A_13] : memref<4096x512xf32, #tpu.memory_space<hbm>> -> memref<128x512xf32, #tpu.memory_space<hbm>>
      tpu.wait_dma2 semaphore(%run_scoped3A : memref<!tpu.dma_semaphore, #tpu.memory_space<semaphore_mem>>) src(%arg7 : memref<128x512xf32, #tpu.memory_space<vmem>>) dst(%dma_wait3A_14 : memref<128x512xf32, #tpu.memory_space<hbm>>)
      tpu.yield
    }) : () -> ()
    "tpu.region"() ({
      %run_scoped3A = tpu.sem_alloc : memref<!tpu.dma_semaphore, #tpu.memory_space<semaphore_mem>>
      %dma_start3A_7 = arith.constant 0 : i32
      %dma_start3A_8 = arith.constant 0 : i32
      %dma_start3A_9 = tpu.memref_slice %arg7[%dma_start3A_7, %dma_start3A_8] : memref<128x512xf32, #tpu.memory_space<vmem>> -> memref<128x256xf32, #tpu.memory_space<vmem>>
      %dma_start3A_10 = arith.constant 0 : i32
      %dma_start3A_11 = tpu.memref_slice %arg5[%mul3A_2, %dma_start3A_10] : memref<4096x256xf32, #tpu.memory_space<hbm>> -> memref<128x256xf32, #tpu.memory_space<hbm>>
      %dma_start3A_12 = arith.constant 0 : i32
      %dma_start3A_13 = tpu.memref_slice %arg5[%mul3A_2, %dma_start3A_12] : memref<4096x256xf32, #tpu.memory_space<hbm>> -> memref<128x256xf32, #tpu.memory_space<hbm>>
      %dma_start3A_14 = arith.constant 0 : i32
      %dma_start3A_15 = arith.constant 0 : i32
      %dma_start3A_16 = tpu.memref_slice %arg7[%dma_start3A_14, %dma_start3A_15] : memref<128x512xf32, #tpu.memory_space<vmem>> -> memref<128x256xf32, #tpu.memory_space<vmem>>
      tpu.enqueue_dma source(%dma_start3A_16 : memref<128x256xf32, #tpu.memory_space<vmem>>) target(%dma_start3A_13 : memref<128x256xf32, #tpu.memory_space<hbm>>) target_semaphore(%run_scoped3A : memref<!tpu.dma_semaphore, #tpu.memory_space<semaphore_mem>>)
      %dma_wait3A_17 = arith.constant 0 : i32
      %dma_wait3A_18 = arith.constant 0 : i32
      %dma_wait3A_19 = tpu.memref_slice %arg7[%dma_wait3A_17, %dma_wait3A_18] : memref<128x512xf32, #tpu.memory_space<vmem>> -> memref<128x256xf32, #tpu.memory_space<vmem>>
      %dma_wait3A_20 = arith.constant 0 : i32
      %dma_wait3A_21 = tpu.memref_slice %arg5[%mul3A_2, %dma_wait3A_20] : memref<4096x256xf32, #tpu.memory_space<hbm>> -> memref<128x256xf32, #tpu.memory_space<hbm>>
      %dma_wait3A_22 = arith.constant 0 : i32
      %dma_wait3A_23 = tpu.memref_slice %arg5[%mul3A_2, %dma_wait3A_22] : memref<4096x256xf32, #tpu.memory_space<hbm>> -> memref<128x256xf32, #tpu.memory_space<hbm>>
      %dma_wait3A_24 = arith.constant 0 : i32
      %dma_wait3A_25 = arith.constant 0 : i32
      %dma_wait3A_26 = tpu.memref_slice %arg7[%dma_wait3A_24, %dma_wait3A_25] : memref<128x512xf32, #tpu.memory_space<vmem>> -> memref<128x256xf32, #tpu.memory_space<vmem>>
      tpu.wait_dma2 semaphore(%run_scoped3A : memref<!tpu.dma_semaphore, #tpu.memory_space<semaphore_mem>>) src(%dma_wait3A_26 : memref<128x256xf32, #tpu.memory_space<vmem>>) dst(%dma_wait3A_23 : memref<128x256xf32, #tpu.memory_space<hbm>>)
      tpu.yield
    }) : () -> ()
    return
  }
}

module attributes {stable_mosaic.version = 14 : i64} {
  func.func @_main_body(%arg0: i32, %arg1: memref<256x256xf32, #tpu.memory_space<vmem>>, %arg2: memref<1024x256xf32, #tpu.memory_space<vmem>>, %arg3: memref<2x1024xf32, #tpu.memory_space<vmem>>, %arg4: memref<256x1xi32, #tpu.memory_space<vmem>>, %arg5: memref<1x1x1024xf32, #tpu.memory_space<vmem>>, %arg6: memref<1x1x1024xf32, #tpu.memory_space<vmem>>) attributes {dimension_semantics = [#tpu.dimension_semantics<arbitrary>], iteration_bounds = array<i64: 16>, scalar_prefetch = 0 : i64, scratch_operands = 0 : i64, tpu.core_type = #tpu.core_type<tc>, window_params = [{transform_indices = @transform_0, window_bounds = array<i64: 256, 256>}, {pipeline_mode = #tpu.pipeline_mode<synchronous>, transform_indices = @transform_1, window_bounds = array<i64: 1024, 256>}, {pipeline_mode = #tpu.pipeline_mode<synchronous>, transform_indices = @transform_2, window_bounds = array<i64: 2, 1024>}, {transform_indices = @transform_3, window_bounds = array<i64: 256, 1>}, {transform_indices = @transform_4, window_bounds = array<i64: 1, 1, 1024>}, {transform_indices = @transform_5, window_bounds = array<i64: 1, 1, 1024>}]} {
    %get3A = arith.constant 0 : index
    %get3A_0 = arith.constant 0 : index
    %get3A_1 = vector.load %arg1[%get3A, %get3A_0] : memref<256x256xf32, #tpu.memory_space<vmem>>, vector<256x256xf32>
    %get3A_2 = arith.constant 0 : index
    %get3A_3 = arith.constant 0 : index
    %get3A_4 = vector.load %arg2[%get3A_2, %get3A_3] : memref<1024x256xf32, #tpu.memory_space<vmem>>, vector<1024x256xf32>
    %get3A_5 = arith.constant 0 : index
    %get3A_6 = arith.constant 0 : index
    %get3A_7 = vector.load %arg3[%get3A_5, %get3A_6] : memref<2x1024xf32, #tpu.memory_space<vmem>>, vector<1x1024xf32>
    %iota3A = tpu.iota {dimensions = array<i32: 1>} : vector<256x1024xi32>
    %convert_element_type3A = arith.sitofp %iota3A : vector<256x1024xi32> to vector<256x1024xf32>
    %mul3A = arith.mulf %get3A_1, %get3A_1 : vector<256x256xf32>
    %reduce_sum3A = arith.constant dense<0.000000e+00> : vector<256xf32>
    %reduce_sum3A_8 = vector.multi_reduction <add>, %mul3A, %reduce_sum3A [1] : vector<256x256xf32> to vector<256xf32>
    %broadcast_in_dim3A = vector.shape_cast %reduce_sum3A_8 : vector<256xf32> to vector<256x1xf32>
    %dot_general3A = arith.constant dense<0.000000e+00> : vector<256x1024xf32>
    %dot_general3A_9 = tpu.matmul %get3A_1, %get3A_4, %dot_general3A {dimension_numbers = #tpu.dot_dimension_numbers<[1], [1], [0], [0], [0, 0, 1, 0], [], []>, transpose_lhs_hint = false} : vector<256x256xf32>, vector<1024x256xf32>, vector<256x1024xf32> -> vector<256x1024xf32>
    %add3A = vector.broadcast %get3A_7 : vector<1x1024xf32> to vector<256x1024xf32>
    %add3A_10 = vector.broadcast %broadcast_in_dim3A : vector<256x1xf32> to vector<256x1024xf32>
    %add3A_11 = arith.addf %add3A, %add3A_10 : vector<256x1024xf32>
    %mul3A_12 = arith.constant 2.000000e+00 : f32
    %mul3A_13 = vector.broadcast %mul3A_12 : f32 to vector<256x1024xf32>
    %mul3A_14 = arith.mulf %mul3A_13, %dot_general3A_9 : vector<256x1024xf32>
    %sub3A = arith.subf %add3A_11, %mul3A_14 : vector<256x1024xf32>
    %max3A = arith.constant 0.000000e+00 : f32
    %max3A_15 = vector.broadcast %max3A : f32 to vector<256x1024xf32>
    %max3A_16 = arith.maximumf %sub3A, %max3A_15 : vector<256x1024xf32>
    %add3A_17 = arith.constant 1.000000e-35 : f32
    %add3A_18 = vector.broadcast %add3A_17 : f32 to vector<256x1024xf32>
    %add3A_19 = arith.addf %max3A_16, %add3A_18 : vector<256x1024xf32>
    %rsqrt3A = math.rsqrt %add3A_19 : vector<256x1024xf32>
    %mul3A_20 = arith.mulf %max3A_16, %rsqrt3A : vector<256x1024xf32>
    %mul3A_21 = arith.constant -1.44269502 : f32
    %mul3A_22 = vector.broadcast %mul3A_21 : f32 to vector<256x1024xf32>
    %mul3A_23 = arith.mulf %mul3A_22, %mul3A_20 : vector<256x1024xf32>
    %exp23A = math.exp2 %mul3A_23 : vector<256x1024xf32>
    %reduce_sum3A_24 = arith.constant dense<0.000000e+00> : vector<256xf32>
    %reduce_sum3A_25 = vector.multi_reduction <add>, %exp23A, %reduce_sum3A_24 [1] : vector<256x1024xf32> to vector<256xf32>
    %broadcast_in_dim3A_26 = vector.shape_cast %reduce_sum3A_25 : vector<256xf32> to vector<256x1xf32>
    %div3A = arith.constant 1.000000e+00 : f32
    %div3A_27 = vector.broadcast %div3A : f32 to vector<256x1xf32>
    %div3A_28 = arith.divf %div3A_27, %broadcast_in_dim3A_26 : vector<256x1xf32>
    %mul3A_29 = vector.broadcast %div3A_28 : vector<256x1xf32> to vector<256x1024xf32>
    %mul3A_30 = arith.mulf %exp23A, %mul3A_29 : vector<256x1024xf32>
    %reduce_sum3A_31 = arith.constant dense<0.000000e+00> : vector<1024xf32>
    %reduce_sum3A_32 = vector.multi_reduction <add>, %mul3A_30, %reduce_sum3A_31 [0] : vector<256x1024xf32> to vector<1024xf32>
    %broadcast_in_dim3A_33 = vector.shape_cast %reduce_sum3A_32 : vector<1024xf32> to vector<1x1024xf32>
    %reduce_min3A = arith.constant dense<0x7F800000> : vector<256xf32>
    %reduce_min3A_34 = vector.multi_reduction <minimumf>, %sub3A, %reduce_min3A [1] : vector<256x1024xf32> to vector<256xf32>
    %broadcast_in_dim3A_35 = vector.shape_cast %reduce_min3A_34 : vector<256xf32> to vector<256x1xf32>
    %eq3A = vector.broadcast %broadcast_in_dim3A_35 : vector<256x1xf32> to vector<256x1024xf32>
    %eq3A_36 = arith.cmpf oeq, %sub3A, %eq3A : vector<256x1024xf32>
    %jit3A = arith.constant 1.024000e+03 : f32
    %broadcast_in_dim3A_37 = vector.broadcast %jit3A : f32 to vector<256x1024xf32>
    %select_n3A = arith.select %eq3A_36, %convert_element_type3A, %broadcast_in_dim3A_37 : vector<256x1024xi1>, vector<256x1024xf32>
    %reduce_min3A_38 = arith.constant dense<0x7F800000> : vector<256xf32>
    %reduce_min3A_39 = vector.multi_reduction <minimumf>, %select_n3A, %reduce_min3A_38 [1] : vector<256x1024xf32> to vector<256xf32>
    %broadcast_in_dim3A_40 = vector.shape_cast %reduce_min3A_39 : vector<256xf32> to vector<256x1xf32>
    %convert_element_type3A_41 = arith.fptosi %broadcast_in_dim3A_40 : vector<256x1xf32> to vector<256x1xi32>
    %swap3A = arith.constant 0 : index
    %swap3A_42 = arith.constant 0 : index
    %swap3A_43 = vector.load %arg4[%swap3A, %swap3A_42] : memref<256x1xi32, #tpu.memory_space<vmem>>, vector<256x1xi32>
    tpu.vector_store %arg4[%swap3A, %swap3A_42], %convert_element_type3A_41 {strides = array<i32>} : memref<256x1xi32, #tpu.memory_space<vmem>>, vector<256x1xi32>,
    %eq3A_44 = vector.broadcast %broadcast_in_dim3A_40 : vector<256x1xf32> to vector<256x1024xf32>
    %eq3A_45 = arith.cmpf oeq, %convert_element_type3A, %eq3A_44 : vector<256x1024xf32>
    %convert_element_type3A_46 = arith.extui %eq3A_45 : vector<256x1024xi1> to vector<256x1024xi32>
    %convert_element_type3A_47 = arith.sitofp %convert_element_type3A_46 : vector<256x1024xi32> to vector<256x1024xf32>
    %broadcast_in_dim3A_48 = arith.constant 1.000000e+00 : f32
    %broadcast_in_dim3A_49 = vector.broadcast %broadcast_in_dim3A_48 : f32 to vector<256x1xf32>
    %dot_general3A_50 = arith.constant dense<0.000000e+00> : vector<1x1024xf32>
    %dot_general3A_51 = tpu.matmul %broadcast_in_dim3A_49, %convert_element_type3A_47, %dot_general3A_50 {dimension_numbers = #tpu.dot_dimension_numbers<[0], [0], [1], [1], [0, 1, 1, 1], [], []>, transpose_lhs_hint = false} : vector<256x1xf32>, vector<256x1024xf32>, vector<1x1024xf32> -> vector<1x1024xf32>
    %jit3A_52 = arith.constant 2 : i32
    %eq3A_53 = arith.constant 0 : i32
    %eq3A_54 = arith.cmpi eq, %jit3A_52, %eq3A_53 : i32
    %jit3A_55 = arith.constant 1 : i32
    %select_n3A_56 = arith.select %eq3A_54, %jit3A_55, %jit3A_52 : i32
    %rem3A = arith.remsi %arg0, %select_n3A_56 : i32
    %ne3A = arith.constant 0 : i32
    %ne3A_57 = arith.cmpi ne, %rem3A, %ne3A : i32
    %lt3A = arith.constant 0 : i32
    %lt3A_58 = arith.cmpi slt, %rem3A, %lt3A : i32
    %lt3A_59 = arith.constant 0 : i32
    %lt3A_60 = arith.cmpi slt, %select_n3A_56, %lt3A_59 : i32
    %ne3A_61 = arith.xori %lt3A_58, %lt3A_60 : i1
    %and3A = arith.andi %ne3A_61, %ne3A_57 : i1
    %add3A_62 = arith.addi %rem3A, %select_n3A_56 : i32
    %select_n3A_63 = arith.select %and3A, %add3A_62, %rem3A : i32
    %eq3A_64 = arith.constant 0 : i32
    %eq3A_65 = arith.cmpi eq, %select_n3A_63, %eq3A_64 : i32
    %convert_element_type3A_66 = arith.extui %eq3A_65 : i1 to i32
    %cond3A = arith.constant 0 : i32
    %cond3A_67 = arith.cmpi ne, %convert_element_type3A_66, %cond3A : i32
    scf.if %cond3A_67 {
      %reshape3A = vector.shape_cast %broadcast_in_dim3A_33 : vector<1x1024xf32> to vector<1x1x1024xf32>
      %swap3A_72 = arith.constant 0 : index
      %swap3A_73 = arith.constant 0 : index
      %swap3A_74 = arith.constant 0 : index
      %swap3A_75 = vector.load %arg5[%swap3A_72, %swap3A_73, %swap3A_74] : memref<1x1x1024xf32, #tpu.memory_space<vmem>>, vector<1x1x1024xf32>
      tpu.vector_store %arg5[%swap3A_72, %swap3A_73, %swap3A_74], %reshape3A {strides = array<i32>} : memref<1x1x1024xf32, #tpu.memory_space<vmem>>, vector<1x1x1024xf32>,
      %reshape3A_76 = vector.shape_cast %dot_general3A_51 : vector<1x1024xf32> to vector<1x1x1024xf32>
      %swap3A_77 = arith.constant 0 : index
      %swap3A_78 = arith.constant 0 : index
      %swap3A_79 = arith.constant 0 : index
      %swap3A_80 = vector.load %arg6[%swap3A_77, %swap3A_78, %swap3A_79] : memref<1x1x1024xf32, #tpu.memory_space<vmem>>, vector<1x1x1024xf32>
      tpu.vector_store %arg6[%swap3A_77, %swap3A_78, %swap3A_79], %reshape3A_76 {strides = array<i32>} : memref<1x1x1024xf32, #tpu.memory_space<vmem>>, vector<1x1x1024xf32>,
    } else {
    }
    %not3A = arith.constant true
    %not3A_68 = arith.xori %eq3A_65, %not3A : i1
    %convert_element_type3A_69 = arith.extui %not3A_68 : i1 to i32
    %cond3A_70 = arith.constant 0 : i32
    %cond3A_71 = arith.cmpi ne, %convert_element_type3A_69, %cond3A_70 : i32
    scf.if %cond3A_71 {
      %get3A_72 = arith.constant 0 : index
      %get3A_73 = arith.constant 0 : index
      %get3A_74 = arith.constant 0 : index
      %get3A_75 = vector.load %arg5[%get3A_72, %get3A_73, %get3A_74] : memref<1x1x1024xf32, #tpu.memory_space<vmem>>, vector<1x1x1024xf32>
      %reshape3A = vector.shape_cast %broadcast_in_dim3A_33 : vector<1x1024xf32> to vector<1x1x1024xf32>
      %add3A_76 = arith.addf %get3A_75, %reshape3A : vector<1x1x1024xf32>
      %swap3A_77 = arith.constant 0 : index
      %swap3A_78 = arith.constant 0 : index
      %swap3A_79 = arith.constant 0 : index
      %swap3A_80 = vector.load %arg5[%swap3A_77, %swap3A_78, %swap3A_79] : memref<1x1x1024xf32, #tpu.memory_space<vmem>>, vector<1x1x1024xf32>
      tpu.vector_store %arg5[%swap3A_77, %swap3A_78, %swap3A_79], %add3A_76 {strides = array<i32>} : memref<1x1x1024xf32, #tpu.memory_space<vmem>>, vector<1x1x1024xf32>,
      %get3A_81 = arith.constant 0 : index
      %get3A_82 = arith.constant 0 : index
      %get3A_83 = arith.constant 0 : index
      %get3A_84 = vector.load %arg6[%get3A_81, %get3A_82, %get3A_83] : memref<1x1x1024xf32, #tpu.memory_space<vmem>>, vector<1x1x1024xf32>
      %reshape3A_85 = vector.shape_cast %dot_general3A_51 : vector<1x1024xf32> to vector<1x1x1024xf32>
      %add3A_86 = arith.addf %get3A_84, %reshape3A_85 : vector<1x1x1024xf32>
      %swap3A_87 = arith.constant 0 : index
      %swap3A_88 = arith.constant 0 : index
      %swap3A_89 = arith.constant 0 : index
      %swap3A_90 = vector.load %arg6[%swap3A_87, %swap3A_88, %swap3A_89] : memref<1x1x1024xf32, #tpu.memory_space<vmem>>, vector<1x1x1024xf32>
      tpu.vector_store %arg6[%swap3A_87, %swap3A_88, %swap3A_89], %add3A_86 {strides = array<i32>} : memref<1x1x1024xf32, #tpu.memory_space<vmem>>, vector<1x1x1024xf32>,
    } else {
    }
    return
  }
  func.func @transform_0(%arg0: i32) -> (i32, i32) {
    %c0_i32 = arith.constant 0 : i32
    %c0_i32_0 = arith.constant 0 : i32
    return %arg0, %c0_i32 : i32, i32
  }
  func.func @transform_1(%arg0: i32) -> (i32, i32) {
    %c0_i32 = arith.constant 0 : i32
    %c0_i32_0 = arith.constant 0 : i32
    %c0_i32_1 = arith.constant 0 : i32
    return %c0_i32, %c0_i32_0 : i32, i32
  }
  func.func @transform_2(%arg0: i32) -> (i32, i32) {
    %c0_i32 = arith.constant 0 : i32
    %c0_i32_0 = arith.constant 0 : i32
    %c0_i32_1 = arith.constant 0 : i32
    return %c0_i32, %c0_i32_0 : i32, i32
  }
  func.func @transform_3(%arg0: i32) -> (i32, i32) {
    %c0_i32 = arith.constant 0 : i32
    %c0_i32_0 = arith.constant 0 : i32
    return %arg0, %c0_i32 : i32, i32
  }
  func.func @transform_4(%arg0: i32) -> (i32, i32, i32) {
    %jit3A = arith.constant 2 : i32
    %div3A = arith.divsi %arg0, %jit3A : i32
    %sign3A = arith.constant 0 : i32
    %sign3A_0 = arith.cmpi sgt, %arg0, %sign3A : i32
    %sign3A_1 = arith.extui %sign3A_0 : i1 to i32
    %sign3A_2 = arith.constant 0 : i32
    %sign3A_3 = arith.cmpi slt, %arg0, %sign3A_2 : i32
    %sign3A_4 = arith.extui %sign3A_3 : i1 to i32
    %sign3A_5 = arith.subi %sign3A_1, %sign3A_4 : i32
    %sign3A_6 = arith.constant 0 : i32
    %sign3A_7 = arith.cmpi sgt, %jit3A, %sign3A_6 : i32
    %sign3A_8 = arith.extui %sign3A_7 : i1 to i32
    %sign3A_9 = arith.constant 0 : i32
    %sign3A_10 = arith.cmpi slt, %jit3A, %sign3A_9 : i32
    %sign3A_11 = arith.extui %sign3A_10 : i1 to i32
    %sign3A_12 = arith.subi %sign3A_8, %sign3A_11 : i32
    %ne3A = arith.cmpi ne, %sign3A_5, %sign3A_12 : i32
    %rem3A = arith.remsi %arg0, %jit3A : i32
    %ne3A_13 = arith.constant 0 : i32
    %ne3A_14 = arith.cmpi ne, %rem3A, %ne3A_13 : i32
    %and3A = arith.andi %ne3A, %ne3A_14 : i1
    %sub3A = arith.constant 1 : i32
    %sub3A_15 = arith.subi %div3A, %sub3A : i32
    %select_n3A = arith.select %and3A, %sub3A_15, %div3A : i32
    %c0_i32 = arith.constant 0 : i32
    %c0_i32_16 = arith.constant 0 : i32
    %c0_i32_17 = arith.constant 0 : i32
    return %select_n3A, %c0_i32, %c0_i32_16 : i32, i32, i32
  }
  func.func @transform_5(%arg0: i32) -> (i32, i32, i32) {
    %jit3A = arith.constant 2 : i32
    %div3A = arith.divsi %arg0, %jit3A : i32
    %sign3A = arith.constant 0 : i32
    %sign3A_0 = arith.cmpi sgt, %arg0, %sign3A : i32
    %sign3A_1 = arith.extui %sign3A_0 : i1 to i32
    %sign3A_2 = arith.constant 0 : i32
    %sign3A_3 = arith.cmpi slt, %arg0, %sign3A_2 : i32
    %sign3A_4 = arith.extui %sign3A_3 : i1 to i32
    %sign3A_5 = arith.subi %sign3A_1, %sign3A_4 : i32
    %sign3A_6 = arith.constant 0 : i32
    %sign3A_7 = arith.cmpi sgt, %jit3A, %sign3A_6 : i32
    %sign3A_8 = arith.extui %sign3A_7 : i1 to i32
    %sign3A_9 = arith.constant 0 : i32
    %sign3A_10 = arith.cmpi slt, %jit3A, %sign3A_9 : i32
    %sign3A_11 = arith.extui %sign3A_10 : i1 to i32
    %sign3A_12 = arith.subi %sign3A_8, %sign3A_11 : i32
    %ne3A = arith.cmpi ne, %sign3A_5, %sign3A_12 : i32
    %rem3A = arith.remsi %arg0, %jit3A : i32
    %ne3A_13 = arith.constant 0 : i32
    %ne3A_14 = arith.cmpi ne, %rem3A, %ne3A_13 : i32
    %and3A = arith.andi %ne3A, %ne3A_14 : i1
    %sub3A = arith.constant 1 : i32
    %sub3A_15 = arith.subi %div3A, %sub3A : i32
    %select_n3A = arith.select %and3A, %sub3A_15, %div3A : i32
    %c0_i32 = arith.constant 0 : i32
    %c0_i32_16 = arith.constant 0 : i32
    %c0_i32_17 = arith.constant 0 : i32
    return %select_n3A, %c0_i32, %c0_i32_16 : i32, i32, i32
  }
}

module attributes {stable_mosaic.version = 14 : i64} {
  func.func @_main_body(%arg0: i32, %arg1: memref<256x256xf32, #tpu.memory_space<vmem>>, %arg2: memref<1024x256xf32, #tpu.memory_space<vmem>>, %arg3: memref<2x1024xf32, #tpu.memory_space<vmem>>, %arg4: memref<256x1xi32, #tpu.memory_space<vmem>>, %arg5: memref<1x1x1024xf32, #tpu.memory_space<vmem>>, %arg6: memref<1x1x1024xf32, #tpu.memory_space<vmem>>) attributes {dimension_semantics = [#tpu.dimension_semantics<arbitrary>], iteration_bounds = array<i64: 16>, scalar_prefetch = 0 : i64, scratch_operands = 0 : i64, tpu.core_type = #tpu.core_type<tc>, window_params = [{transform_indices = @transform_0, window_bounds = array<i64: 256, 256>}, {pipeline_mode = #tpu.pipeline_mode<synchronous>, transform_indices = @transform_1, window_bounds = array<i64: 1024, 256>}, {pipeline_mode = #tpu.pipeline_mode<synchronous>, transform_indices = @transform_2, window_bounds = array<i64: 2, 1024>}, {transform_indices = @transform_3, window_bounds = array<i64: 256, 1>}, {transform_indices = @transform_4, window_bounds = array<i64: 1, 1, 1024>}, {transform_indices = @transform_5, window_bounds = array<i64: 1, 1, 1024>}]} {
    %get3A = arith.constant 0 : index
    %get3A_0 = arith.constant 0 : index
    %get3A_1 = vector.load %arg1[%get3A, %get3A_0] : memref<256x256xf32, #tpu.memory_space<vmem>>, vector<256x256xf32>
    %get3A_2 = arith.constant 0 : index
    %get3A_3 = arith.constant 0 : index
    %get3A_4 = vector.load %arg2[%get3A_2, %get3A_3] : memref<1024x256xf32, #tpu.memory_space<vmem>>, vector<1024x256xf32>
    %get3A_5 = arith.constant 1 : index
    %get3A_6 = arith.constant 0 : index
    %get3A_7 = vector.load %arg3[%get3A_5, %get3A_6] : memref<2x1024xf32, #tpu.memory_space<vmem>>, vector<1x1024xf32>
    %iota3A = tpu.iota {dimensions = array<i32: 1>} : vector<256x1024xi32>
    %convert_element_type3A = arith.sitofp %iota3A : vector<256x1024xi32> to vector<256x1024xf32>
    %mul3A = arith.mulf %get3A_1, %get3A_1 : vector<256x256xf32>
    %reduce_sum3A = arith.constant dense<0.000000e+00> : vector<256xf32>
    %reduce_sum3A_8 = vector.multi_reduction <add>, %mul3A, %reduce_sum3A [1] : vector<256x256xf32> to vector<256xf32>
    %broadcast_in_dim3A = vector.shape_cast %reduce_sum3A_8 : vector<256xf32> to vector<256x1xf32>
    %dot_general3A = arith.constant dense<0.000000e+00> : vector<256x1024xf32>
    %dot_general3A_9 = tpu.matmul %get3A_1, %get3A_4, %dot_general3A {dimension_numbers = #tpu.dot_dimension_numbers<[1], [1], [0], [0], [0, 0, 1, 0], [], []>, transpose_lhs_hint = false} : vector<256x256xf32>, vector<1024x256xf32>, vector<256x1024xf32> -> vector<256x1024xf32>
    %add3A = vector.broadcast %get3A_7 : vector<1x1024xf32> to vector<256x1024xf32>
    %add3A_10 = vector.broadcast %broadcast_in_dim3A : vector<256x1xf32> to vector<256x1024xf32>
    %add3A_11 = arith.addf %add3A, %add3A_10 : vector<256x1024xf32>
    %mul3A_12 = arith.constant 2.000000e+00 : f32
    %mul3A_13 = vector.broadcast %mul3A_12 : f32 to vector<256x1024xf32>
    %mul3A_14 = arith.mulf %mul3A_13, %dot_general3A_9 : vector<256x1024xf32>
    %sub3A = arith.subf %add3A_11, %mul3A_14 : vector<256x1024xf32>
    %max3A = arith.constant 0.000000e+00 : f32
    %max3A_15 = vector.broadcast %max3A : f32 to vector<256x1024xf32>
    %max3A_16 = arith.maximumf %sub3A, %max3A_15 : vector<256x1024xf32>
    %add3A_17 = arith.constant 1.000000e-35 : f32
    %add3A_18 = vector.broadcast %add3A_17 : f32 to vector<256x1024xf32>
    %add3A_19 = arith.addf %max3A_16, %add3A_18 : vector<256x1024xf32>
    %rsqrt3A = math.rsqrt %add3A_19 : vector<256x1024xf32>
    %mul3A_20 = arith.mulf %max3A_16, %rsqrt3A : vector<256x1024xf32>
    %mul3A_21 = arith.constant -1.44269502 : f32
    %mul3A_22 = vector.broadcast %mul3A_21 : f32 to vector<256x1024xf32>
    %mul3A_23 = arith.mulf %mul3A_22, %mul3A_20 : vector<256x1024xf32>
    %exp23A = math.exp2 %mul3A_23 : vector<256x1024xf32>
    %reduce_sum3A_24 = arith.constant dense<0.000000e+00> : vector<256xf32>
    %reduce_sum3A_25 = vector.multi_reduction <add>, %exp23A, %reduce_sum3A_24 [1] : vector<256x1024xf32> to vector<256xf32>
    %broadcast_in_dim3A_26 = vector.shape_cast %reduce_sum3A_25 : vector<256xf32> to vector<256x1xf32>
    %div3A = arith.constant 1.000000e+00 : f32
    %div3A_27 = vector.broadcast %div3A : f32 to vector<256x1xf32>
    %div3A_28 = arith.divf %div3A_27, %broadcast_in_dim3A_26 : vector<256x1xf32>
    %mul3A_29 = vector.broadcast %div3A_28 : vector<256x1xf32> to vector<256x1024xf32>
    %mul3A_30 = arith.mulf %exp23A, %mul3A_29 : vector<256x1024xf32>
    %reduce_sum3A_31 = arith.constant dense<0.000000e+00> : vector<1024xf32>
    %reduce_sum3A_32 = vector.multi_reduction <add>, %mul3A_30, %reduce_sum3A_31 [0] : vector<256x1024xf32> to vector<1024xf32>
    %broadcast_in_dim3A_33 = vector.shape_cast %reduce_sum3A_32 : vector<1024xf32> to vector<1x1024xf32>
    %reduce_min3A = arith.constant dense<0x7F800000> : vector<256xf32>
    %reduce_min3A_34 = vector.multi_reduction <minimumf>, %sub3A, %reduce_min3A [1] : vector<256x1024xf32> to vector<256xf32>
    %broadcast_in_dim3A_35 = vector.shape_cast %reduce_min3A_34 : vector<256xf32> to vector<256x1xf32>
    %eq3A = vector.broadcast %broadcast_in_dim3A_35 : vector<256x1xf32> to vector<256x1024xf32>
    %eq3A_36 = arith.cmpf oeq, %sub3A, %eq3A : vector<256x1024xf32>
    %jit3A = arith.constant 1.024000e+03 : f32
    %broadcast_in_dim3A_37 = vector.broadcast %jit3A : f32 to vector<256x1024xf32>
    %select_n3A = arith.select %eq3A_36, %convert_element_type3A, %broadcast_in_dim3A_37 : vector<256x1024xi1>, vector<256x1024xf32>
    %reduce_min3A_38 = arith.constant dense<0x7F800000> : vector<256xf32>
    %reduce_min3A_39 = vector.multi_reduction <minimumf>, %select_n3A, %reduce_min3A_38 [1] : vector<256x1024xf32> to vector<256xf32>
    %broadcast_in_dim3A_40 = vector.shape_cast %reduce_min3A_39 : vector<256xf32> to vector<256x1xf32>
    %convert_element_type3A_41 = arith.fptosi %broadcast_in_dim3A_40 : vector<256x1xf32> to vector<256x1xi32>
    %swap3A = arith.constant 0 : index
    %swap3A_42 = arith.constant 0 : index
    %swap3A_43 = vector.load %arg4[%swap3A, %swap3A_42] : memref<256x1xi32, #tpu.memory_space<vmem>>, vector<256x1xi32>
    tpu.vector_store %arg4[%swap3A, %swap3A_42], %convert_element_type3A_41 {strides = array<i32>} : memref<256x1xi32, #tpu.memory_space<vmem>>, vector<256x1xi32>,
    %eq3A_44 = vector.broadcast %broadcast_in_dim3A_40 : vector<256x1xf32> to vector<256x1024xf32>
    %eq3A_45 = arith.cmpf oeq, %convert_element_type3A, %eq3A_44 : vector<256x1024xf32>
    %convert_element_type3A_46 = arith.extui %eq3A_45 : vector<256x1024xi1> to vector<256x1024xi32>
    %convert_element_type3A_47 = arith.sitofp %convert_element_type3A_46 : vector<256x1024xi32> to vector<256x1024xf32>
    %broadcast_in_dim3A_48 = arith.constant 1.000000e+00 : f32
    %broadcast_in_dim3A_49 = vector.broadcast %broadcast_in_dim3A_48 : f32 to vector<256x1xf32>
    %dot_general3A_50 = arith.constant dense<0.000000e+00> : vector<1x1024xf32>
    %dot_general3A_51 = tpu.matmul %broadcast_in_dim3A_49, %convert_element_type3A_47, %dot_general3A_50 {dimension_numbers = #tpu.dot_dimension_numbers<[0], [0], [1], [1], [0, 1, 1, 1], [], []>, transpose_lhs_hint = false} : vector<256x1xf32>, vector<256x1024xf32>, vector<1x1024xf32> -> vector<1x1024xf32>
    %jit3A_52 = arith.constant 2 : i32
    %eq3A_53 = arith.constant 0 : i32
    %eq3A_54 = arith.cmpi eq, %jit3A_52, %eq3A_53 : i32
    %jit3A_55 = arith.constant 1 : i32
    %select_n3A_56 = arith.select %eq3A_54, %jit3A_55, %jit3A_52 : i32
    %rem3A = arith.remsi %arg0, %select_n3A_56 : i32
    %ne3A = arith.constant 0 : i32
    %ne3A_57 = arith.cmpi ne, %rem3A, %ne3A : i32
    %lt3A = arith.constant 0 : i32
    %lt3A_58 = arith.cmpi slt, %rem3A, %lt3A : i32
    %lt3A_59 = arith.constant 0 : i32
    %lt3A_60 = arith.cmpi slt, %select_n3A_56, %lt3A_59 : i32
    %ne3A_61 = arith.xori %lt3A_58, %lt3A_60 : i1
    %and3A = arith.andi %ne3A_61, %ne3A_57 : i1
    %add3A_62 = arith.addi %rem3A, %select_n3A_56 : i32
    %select_n3A_63 = arith.select %and3A, %add3A_62, %rem3A : i32
    %eq3A_64 = arith.constant 0 : i32
    %eq3A_65 = arith.cmpi eq, %select_n3A_63, %eq3A_64 : i32
    %convert_element_type3A_66 = arith.extui %eq3A_65 : i1 to i32
    %cond3A = arith.constant 0 : i32
    %cond3A_67 = arith.cmpi ne, %convert_element_type3A_66, %cond3A : i32
    scf.if %cond3A_67 {
      %reshape3A = vector.shape_cast %broadcast_in_dim3A_33 : vector<1x1024xf32> to vector<1x1x1024xf32>
      %swap3A_72 = arith.constant 0 : index
      %swap3A_73 = arith.constant 0 : index
      %swap3A_74 = arith.constant 0 : index
      %swap3A_75 = vector.load %arg5[%swap3A_72, %swap3A_73, %swap3A_74] : memref<1x1x1024xf32, #tpu.memory_space<vmem>>, vector<1x1x1024xf32>
      tpu.vector_store %arg5[%swap3A_72, %swap3A_73, %swap3A_74], %reshape3A {strides = array<i32>} : memref<1x1x1024xf32, #tpu.memory_space<vmem>>, vector<1x1x1024xf32>,
      %reshape3A_76 = vector.shape_cast %dot_general3A_51 : vector<1x1024xf32> to vector<1x1x1024xf32>
      %swap3A_77 = arith.constant 0 : index
      %swap3A_78 = arith.constant 0 : index
      %swap3A_79 = arith.constant 0 : index
      %swap3A_80 = vector.load %arg6[%swap3A_77, %swap3A_78, %swap3A_79] : memref<1x1x1024xf32, #tpu.memory_space<vmem>>, vector<1x1x1024xf32>
      tpu.vector_store %arg6[%swap3A_77, %swap3A_78, %swap3A_79], %reshape3A_76 {strides = array<i32>} : memref<1x1x1024xf32, #tpu.memory_space<vmem>>, vector<1x1x1024xf32>,
    } else {
    }
    %not3A = arith.constant true
    %not3A_68 = arith.xori %eq3A_65, %not3A : i1
    %convert_element_type3A_69 = arith.extui %not3A_68 : i1 to i32
    %cond3A_70 = arith.constant 0 : i32
    %cond3A_71 = arith.cmpi ne, %convert_element_type3A_69, %cond3A_70 : i32
    scf.if %cond3A_71 {
      %get3A_72 = arith.constant 0 : index
      %get3A_73 = arith.constant 0 : index
      %get3A_74 = arith.constant 0 : index
      %get3A_75 = vector.load %arg5[%get3A_72, %get3A_73, %get3A_74] : memref<1x1x1024xf32, #tpu.memory_space<vmem>>, vector<1x1x1024xf32>
      %reshape3A = vector.shape_cast %broadcast_in_dim3A_33 : vector<1x1024xf32> to vector<1x1x1024xf32>
      %add3A_76 = arith.addf %get3A_75, %reshape3A : vector<1x1x1024xf32>
      %swap3A_77 = arith.constant 0 : index
      %swap3A_78 = arith.constant 0 : index
      %swap3A_79 = arith.constant 0 : index
      %swap3A_80 = vector.load %arg5[%swap3A_77, %swap3A_78, %swap3A_79] : memref<1x1x1024xf32, #tpu.memory_space<vmem>>, vector<1x1x1024xf32>
      tpu.vector_store %arg5[%swap3A_77, %swap3A_78, %swap3A_79], %add3A_76 {strides = array<i32>} : memref<1x1x1024xf32, #tpu.memory_space<vmem>>, vector<1x1x1024xf32>,
      %get3A_81 = arith.constant 0 : index
      %get3A_82 = arith.constant 0 : index
      %get3A_83 = arith.constant 0 : index
      %get3A_84 = vector.load %arg6[%get3A_81, %get3A_82, %get3A_83] : memref<1x1x1024xf32, #tpu.memory_space<vmem>>, vector<1x1x1024xf32>
      %reshape3A_85 = vector.shape_cast %dot_general3A_51 : vector<1x1024xf32> to vector<1x1x1024xf32>
      %add3A_86 = arith.addf %get3A_84, %reshape3A_85 : vector<1x1x1024xf32>
      %swap3A_87 = arith.constant 0 : index
      %swap3A_88 = arith.constant 0 : index
      %swap3A_89 = arith.constant 0 : index
      %swap3A_90 = vector.load %arg6[%swap3A_87, %swap3A_88, %swap3A_89] : memref<1x1x1024xf32, #tpu.memory_space<vmem>>, vector<1x1x1024xf32>
      tpu.vector_store %arg6[%swap3A_87, %swap3A_88, %swap3A_89], %add3A_86 {strides = array<i32>} : memref<1x1x1024xf32, #tpu.memory_space<vmem>>, vector<1x1x1024xf32>,
    } else {
    }
    return
  }
  func.func @transform_0(%arg0: i32) -> (i32, i32) {
    %c0_i32 = arith.constant 0 : i32
    %c0_i32_0 = arith.constant 0 : i32
    return %arg0, %c0_i32 : i32, i32
  }
  func.func @transform_1(%arg0: i32) -> (i32, i32) {
    %c0_i32 = arith.constant 0 : i32
    %c0_i32_0 = arith.constant 0 : i32
    %c0_i32_1 = arith.constant 0 : i32
    return %c0_i32, %c0_i32_0 : i32, i32
  }
  func.func @transform_2(%arg0: i32) -> (i32, i32) {
    %c0_i32 = arith.constant 0 : i32
    %c0_i32_0 = arith.constant 0 : i32
    %c0_i32_1 = arith.constant 0 : i32
    return %c0_i32, %c0_i32_0 : i32, i32
  }
  func.func @transform_3(%arg0: i32) -> (i32, i32) {
    %c0_i32 = arith.constant 0 : i32
    %c0_i32_0 = arith.constant 0 : i32
    return %arg0, %c0_i32 : i32, i32
  }
  func.func @transform_4(%arg0: i32) -> (i32, i32, i32) {
    %jit3A = arith.constant 2 : i32
    %div3A = arith.divsi %arg0, %jit3A : i32
    %sign3A = arith.constant 0 : i32
    %sign3A_0 = arith.cmpi sgt, %arg0, %sign3A : i32
    %sign3A_1 = arith.extui %sign3A_0 : i1 to i32
    %sign3A_2 = arith.constant 0 : i32
    %sign3A_3 = arith.cmpi slt, %arg0, %sign3A_2 : i32
    %sign3A_4 = arith.extui %sign3A_3 : i1 to i32
    %sign3A_5 = arith.subi %sign3A_1, %sign3A_4 : i32
    %sign3A_6 = arith.constant 0 : i32
    %sign3A_7 = arith.cmpi sgt, %jit3A, %sign3A_6 : i32
    %sign3A_8 = arith.extui %sign3A_7 : i1 to i32
    %sign3A_9 = arith.constant 0 : i32
    %sign3A_10 = arith.cmpi slt, %jit3A, %sign3A_9 : i32
    %sign3A_11 = arith.extui %sign3A_10 : i1 to i32
    %sign3A_12 = arith.subi %sign3A_8, %sign3A_11 : i32
    %ne3A = arith.cmpi ne, %sign3A_5, %sign3A_12 : i32
    %rem3A = arith.remsi %arg0, %jit3A : i32
    %ne3A_13 = arith.constant 0 : i32
    %ne3A_14 = arith.cmpi ne, %rem3A, %ne3A_13 : i32
    %and3A = arith.andi %ne3A, %ne3A_14 : i1
    %sub3A = arith.constant 1 : i32
    %sub3A_15 = arith.subi %div3A, %sub3A : i32
    %select_n3A = arith.select %and3A, %sub3A_15, %div3A : i32
    %c0_i32 = arith.constant 0 : i32
    %c0_i32_16 = arith.constant 0 : i32
    %c0_i32_17 = arith.constant 0 : i32
    return %select_n3A, %c0_i32, %c0_i32_16 : i32, i32, i32
  }
  func.func @transform_5(%arg0: i32) -> (i32, i32, i32) {
    %jit3A = arith.constant 2 : i32
    %div3A = arith.divsi %arg0, %jit3A : i32
    %sign3A = arith.constant 0 : i32
    %sign3A_0 = arith.cmpi sgt, %arg0, %sign3A : i32
    %sign3A_1 = arith.extui %sign3A_0 : i1 to i32
    %sign3A_2 = arith.constant 0 : i32
    %sign3A_3 = arith.cmpi slt, %arg0, %sign3A_2 : i32
    %sign3A_4 = arith.extui %sign3A_3 : i1 to i32
    %sign3A_5 = arith.subi %sign3A_1, %sign3A_4 : i32
    %sign3A_6 = arith.constant 0 : i32
    %sign3A_7 = arith.cmpi sgt, %jit3A, %sign3A_6 : i32
    %sign3A_8 = arith.extui %sign3A_7 : i1 to i32
    %sign3A_9 = arith.constant 0 : i32
    %sign3A_10 = arith.cmpi slt, %jit3A, %sign3A_9 : i32
    %sign3A_11 = arith.extui %sign3A_10 : i1 to i32
    %sign3A_12 = arith.subi %sign3A_8, %sign3A_11 : i32
    %ne3A = arith.cmpi ne, %sign3A_5, %sign3A_12 : i32
    %rem3A = arith.remsi %arg0, %jit3A : i32
    %ne3A_13 = arith.constant 0 : i32
    %ne3A_14 = arith.cmpi ne, %rem3A, %ne3A_13 : i32
    %and3A = arith.andi %ne3A, %ne3A_14 : i1
    %sub3A = arith.constant 1 : i32
    %sub3A_15 = arith.subi %div3A, %sub3A : i32
    %select_n3A = arith.select %and3A, %sub3A_15, %div3A : i32
    %c0_i32 = arith.constant 0 : i32
    %c0_i32_16 = arith.constant 0 : i32
    %c0_i32_17 = arith.constant 0 : i32
    return %select_n3A, %c0_i32, %c0_i32_16 : i32, i32, i32
  }
}

module attributes {stable_mosaic.version = 14 : i64} {
  func.func @_epilogue_body(%arg0: i32, %arg1: memref<8x1024xf32, #tpu.memory_space<vmem>>, %arg2: memref<8x1024xf32, #tpu.memory_space<vmem>>, %arg3: memref<8x1024xf32, #tpu.memory_space<vmem>>, %arg4: memref<8x1024xf32, #tpu.memory_space<vmem>>, %arg5: memref<1024x4xf32, #tpu.memory_space<vmem>>, %arg6: memref<1x1xf32, #tpu.memory_space<vmem>>, %arg7: memref<1x1xi32, #tpu.memory_space<vmem>>, %arg8: memref<1024x2xf32, #tpu.memory_space<vmem>>, %arg9: memref<1024x2xf32, #tpu.memory_space<vmem>>) attributes {dimension_semantics = [#tpu.dimension_semantics<arbitrary>], iteration_bounds = array<i64: 1>, scalar_prefetch = 0 : i64, scratch_operands = 0 : i64, tpu.core_type = #tpu.core_type<tc>, window_params = [{pipeline_mode = #tpu.pipeline_mode<synchronous>, transform_indices = @transform_0, window_bounds = array<i64: 8, 1024>}, {pipeline_mode = #tpu.pipeline_mode<synchronous>, transform_indices = @transform_1, window_bounds = array<i64: 8, 1024>}, {pipeline_mode = #tpu.pipeline_mode<synchronous>, transform_indices = @transform_2, window_bounds = array<i64: 8, 1024>}, {pipeline_mode = #tpu.pipeline_mode<synchronous>, transform_indices = @transform_3, window_bounds = array<i64: 8, 1024>}, {pipeline_mode = #tpu.pipeline_mode<synchronous>, transform_indices = @transform_4, window_bounds = array<i64: 1024, 4>}, {pipeline_mode = #tpu.pipeline_mode<synchronous>, transform_indices = @transform_5, window_bounds = array<i64: 1, 1>}, {pipeline_mode = #tpu.pipeline_mode<synchronous>, transform_indices = @transform_6, window_bounds = array<i64: 1, 1>}, {pipeline_mode = #tpu.pipeline_mode<synchronous>, transform_indices = @transform_7, window_bounds = array<i64: 1024, 2>}, {pipeline_mode = #tpu.pipeline_mode<synchronous>, transform_indices = @transform_8, window_bounds = array<i64: 1024, 2>}]} {
    %get3A = arith.constant 0 : index
    %get3A_0 = arith.constant 0 : index
    %get3A_1 = vector.load %arg1[%get3A, %get3A_0] : memref<8x1024xf32, #tpu.memory_space<vmem>>, vector<8x1024xf32>
    %mul3A = arith.constant 0.001953125 : f32
    %mul3A_2 = vector.broadcast %mul3A : f32 to vector<8x1024xf32>
    %mul3A_3 = arith.mulf %get3A_1, %mul3A_2 : vector<8x1024xf32>
    %get3A_4 = arith.constant 0 : index
    %get3A_5 = arith.constant 0 : index
    %get3A_6 = vector.load %arg2[%get3A_4, %get3A_5] : memref<8x1024xf32, #tpu.memory_space<vmem>>, vector<8x1024xf32>
    %mul3A_7 = arith.constant 0.001953125 : f32
    %mul3A_8 = vector.broadcast %mul3A_7 : f32 to vector<8x1024xf32>
    %mul3A_9 = arith.mulf %get3A_6, %mul3A_8 : vector<8x1024xf32>
    %add3A = arith.constant 1.000000e-10 : f32
    %add3A_10 = vector.broadcast %add3A : f32 to vector<8x1024xf32>
    %add3A_11 = arith.addf %mul3A_3, %add3A_10 : vector<8x1024xf32>
    %log3A = math.log %add3A_11 : vector<8x1024xf32>
    %add3A_12 = arith.constant 1.000000e-10 : f32
    %add3A_13 = vector.broadcast %add3A_12 : f32 to vector<8x1024xf32>
    %add3A_14 = arith.addf %mul3A_9, %add3A_13 : vector<8x1024xf32>
    %log3A_15 = math.log %add3A_14 : vector<8x1024xf32>
    %dot_general3A = arith.constant dense<0.000000e+00> : vector<8x8xf32>
    %dot_general3A_16 = tpu.matmul %mul3A_9, %log3A, %dot_general3A {dimension_numbers = #tpu.dot_dimension_numbers<[1], [1], [0], [0], [0, 0, 1, 0], [], []>, precision = #tpu.contract_precision<fp32>, transpose_lhs_hint = false} : vector<8x1024xf32>, vector<8x1024xf32>, vector<8x8xf32> -> vector<8x8xf32>
    %dot_general3A_17 = arith.constant dense<0.000000e+00> : vector<8x8xf32>
    %dot_general3A_18 = tpu.matmul %mul3A_3, %log3A_15, %dot_general3A_17 {dimension_numbers = #tpu.dot_dimension_numbers<[1], [1], [0], [0], [0, 0, 1, 0], [], []>, precision = #tpu.contract_precision<fp32>, transpose_lhs_hint = false} : vector<8x1024xf32>, vector<8x1024xf32>, vector<8x8xf32> -> vector<8x8xf32>
    %add3A_19 = arith.addf %dot_general3A_16, %dot_general3A_18 : vector<8x8xf32>
    %neg3A = arith.constant 0.000000e+00 : f32
    %neg3A_20 = vector.broadcast %neg3A : f32 to vector<8x8xf32>
    %neg3A_21 = arith.subf %neg3A_20, %add3A_19 : vector<8x8xf32>
    %reduce_max3A = vector.shape_cast %neg3A_21 : vector<8x8xf32> to vector<1x8x8xf32>
    %reduce_max3A_22 = arith.constant dense<0xFF800000> : vector<1xf32>
    %reduce_max3A_23 = vector.multi_reduction <maximumf>, %reduce_max3A, %reduce_max3A_22 [1, 2] : vector<1x8x8xf32> to vector<1xf32>
    %reduce_max3A_24 = vector.shape_cast %reduce_max3A_23 : vector<1xf32> to vector<1x1x1xf32>
    %reduce_max3A_25 = vector.extract %reduce_max3A_24[0, 0, 0] : f32 from vector<1x1x1xf32>
    %add3A_26 = vector.broadcast %reduce_max3A_25 : f32 to vector<8x8xf32>
    %add3A_27 = arith.addf %add3A_19, %add3A_26 : vector<8x8xf32>
    %exp3A = math.exp %add3A_27 : vector<8x8xf32>
    %reduce_sum3A = arith.constant dense<0.000000e+00> : vector<8xf32>
    %reduce_sum3A_28 = vector.multi_reduction <add>, %exp3A, %reduce_sum3A [1] : vector<8x8xf32> to vector<8xf32>
    %broadcast_in_dim3A = vector.shape_cast %reduce_sum3A_28 : vector<8xf32> to vector<8x1xf32>
    %iota3A = tpu.iota {dimensions = array<i32: 0>} : vector<8x8xi32>
    %iota3A_29 = tpu.iota {dimensions = array<i32: 1>} : vector<8x8xi32>
    %eq3A = arith.cmpi eq, %iota3A, %iota3A_29 : vector<8x8xi32>
    %jit3A = arith.constant 0.000000e+00 : f32
    %broadcast_in_dim3A_30 = vector.broadcast %jit3A : f32 to vector<8x8xf32>
    %select_n3A = arith.select %eq3A, %exp3A, %broadcast_in_dim3A_30 : vector<8x8xi1>, vector<8x8xf32>
    %reduce_sum3A_31 = arith.constant dense<0.000000e+00> : vector<8xf32>
    %reduce_sum3A_32 = vector.multi_reduction <add>, %select_n3A, %reduce_sum3A_31 [1] : vector<8x8xf32> to vector<8xf32>
    %broadcast_in_dim3A_33 = vector.shape_cast %reduce_sum3A_32 : vector<8xf32> to vector<8x1xf32>
    %add3A_34 = arith.constant 9.99999974E-6 : f32
    %add3A_35 = vector.broadcast %add3A_34 : f32 to vector<8x1xf32>
    %add3A_36 = arith.addf %broadcast_in_dim3A, %add3A_35 : vector<8x1xf32>
    %div3A = arith.divf %broadcast_in_dim3A_33, %add3A_36 : vector<8x1xf32>
    %log3A_37 = math.log %div3A : vector<8x1xf32>
    %reduce_sum3A_38 = arith.constant dense<0.000000e+00> : vector<1xf32>
    %reduce_sum3A_39 = vector.multi_reduction <add>, %log3A_37, %reduce_sum3A_38 [0] : vector<8x1xf32> to vector<1xf32>
    %broadcast_in_dim3A_40 = vector.shape_cast %reduce_sum3A_39 : vector<1xf32> to vector<1x1xf32>
    %div3A_41 = arith.constant 8.000000e+00 : f32
    %div3A_42 = vector.broadcast %div3A_41 : f32 to vector<1x1xf32>
    %div3A_43 = arith.divf %broadcast_in_dim3A_40, %div3A_42 : vector<1x1xf32>
    %neg3A_44 = arith.constant 0.000000e+00 : f32
    %neg3A_45 = vector.broadcast %neg3A_44 : f32 to vector<1x1xf32>
    %neg3A_46 = arith.subf %neg3A_45, %div3A_43 : vector<1x1xf32>
    %swap3A = arith.constant 0 : index
    %swap3A_47 = arith.constant 0 : index
    %swap3A_48 = vector.load %arg6[%swap3A, %swap3A_47] : memref<1x1xf32, #tpu.memory_space<vmem>>, vector<1x1xf32>
    tpu.vector_store %arg6[%swap3A, %swap3A_47], %neg3A_46 {strides = array<i32>} : memref<1x1xf32, #tpu.memory_space<vmem>>, vector<1x1xf32>,
    %iota3A_49 = tpu.iota {dimensions = array<i32: 1>} : vector<8x1024xi32>
    %get3A_50 = arith.constant 0 : index
    %get3A_51 = arith.constant 0 : index
    %get3A_52 = vector.load %arg3[%get3A_50, %get3A_51] : memref<8x1024xf32, #tpu.memory_space<vmem>>, vector<8x1024xf32>
    %get3A_53 = arith.constant 0 : index
    %get3A_54 = arith.constant 0 : index
    %get3A_55 = vector.load %arg4[%get3A_53, %get3A_54] : memref<8x1024xf32, #tpu.memory_space<vmem>>, vector<8x1024xf32>
    %reduce_max3A_56 = arith.constant dense<0xFF800000> : vector<8xf32>
    %reduce_max3A_57 = vector.multi_reduction <maximumf>, %get3A_52, %reduce_max3A_56 [1] : vector<8x1024xf32> to vector<8xf32>
    %broadcast_in_dim3A_58 = vector.shape_cast %reduce_max3A_57 : vector<8xf32> to vector<8x1xf32>
    %reduce_max3A_59 = arith.constant dense<0xFF800000> : vector<8xf32>
    %reduce_max3A_60 = vector.multi_reduction <maximumf>, %get3A_55, %reduce_max3A_59 [1] : vector<8x1024xf32> to vector<8xf32>
    %broadcast_in_dim3A_61 = vector.shape_cast %reduce_max3A_60 : vector<8xf32> to vector<8x1xf32>
    %eq3A_62 = vector.broadcast %broadcast_in_dim3A_58 : vector<8x1xf32> to vector<8x1024xf32>
    %eq3A_63 = arith.cmpf oeq, %get3A_52, %eq3A_62 : vector<8x1024xf32>
    %jit3A_64 = arith.constant 1024 : i32
    %broadcast_in_dim3A_65 = vector.broadcast %jit3A_64 : i32 to vector<8x1024xi32>
    %select_n3A_66 = arith.select %eq3A_63, %iota3A_49, %broadcast_in_dim3A_65 : vector<8x1024xi1>, vector<8x1024xi32>
    %reduce_min3A = arith.constant dense<2147483647> : vector<8xi32>
    %reduce_min3A_67 = vector.multi_reduction <minsi>, %select_n3A_66, %reduce_min3A [1] : vector<8x1024xi32> to vector<8xi32>
    %broadcast_in_dim3A_68 = vector.shape_cast %reduce_min3A_67 : vector<8xi32> to vector<8x1xi32>
    %eq3A_69 = vector.broadcast %broadcast_in_dim3A_61 : vector<8x1xf32> to vector<8x1024xf32>
    %eq3A_70 = arith.cmpf oeq, %get3A_55, %eq3A_69 : vector<8x1024xf32>
    %jit3A_71 = arith.constant 1024 : i32
    %broadcast_in_dim3A_72 = vector.broadcast %jit3A_71 : i32 to vector<8x1024xi32>
    %select_n3A_73 = arith.select %eq3A_70, %iota3A_49, %broadcast_in_dim3A_72 : vector<8x1024xi1>, vector<8x1024xi32>
    %reduce_min3A_74 = arith.constant dense<2147483647> : vector<8xi32>
    %reduce_min3A_75 = vector.multi_reduction <minsi>, %select_n3A_73, %reduce_min3A_74 [1] : vector<8x1024xi32> to vector<8xi32>
    %broadcast_in_dim3A_76 = vector.shape_cast %reduce_min3A_75 : vector<8xi32> to vector<8x1xi32>
    %eq3A_77 = arith.cmpi eq, %broadcast_in_dim3A_68, %broadcast_in_dim3A_76 : vector<8x1xi32>
    %convert_element_type3A = arith.extui %eq3A_77 : vector<8x1xi1> to vector<8x1xi32>
    %reduce_sum3A_78 = arith.constant dense<0> : vector<1xi32>
    %reduce_sum3A_79 = vector.multi_reduction <add>, %convert_element_type3A, %reduce_sum3A_78 [0] : vector<8x1xi32> to vector<1xi32>
    %broadcast_in_dim3A_80 = vector.shape_cast %reduce_sum3A_79 : vector<1xi32> to vector<1x1xi32>
    %swap3A_81 = arith.constant 0 : index
    %swap3A_82 = arith.constant 0 : index
    %swap3A_83 = vector.load %arg7[%swap3A_81, %swap3A_82] : memref<1x1xi32, #tpu.memory_space<vmem>>, vector<1x1xi32>
    tpu.vector_store %arg7[%swap3A_81, %swap3A_82], %broadcast_in_dim3A_80 {strides = array<i32>} : memref<1x1xi32, #tpu.memory_space<vmem>>, vector<1x1xi32>,
    %get3A_84 = arith.constant 0 : index
    %get3A_85 = arith.constant 0 : index
    %get3A_86 = vector.load %arg5[%get3A_84, %get3A_85] : memref<1024x4xf32, #tpu.memory_space<vmem>>, vector<1024x4xf32>
    %slice3A = vector.extract_strided_slice %get3A_86 {offsets = [0, 0], sizes = [1024, 2], strides = [1, 1]} : vector<1024x4xf32> to vector<1024x2xf32>
    %slice3A_87 = vector.extract_strided_slice %get3A_86 {offsets = [0, 2], sizes = [1024, 2], strides = [1, 1]} : vector<1024x4xf32> to vector<1024x2xf32>
    %reduce_max3A_88 = arith.constant dense<0xFF800000> : vector<1024xf32>
    %reduce_max3A_89 = vector.multi_reduction <maximumf>, %slice3A, %reduce_max3A_88 [1] : vector<1024x2xf32> to vector<1024xf32>
    %broadcast_in_dim3A_90 = vector.shape_cast %reduce_max3A_89 : vector<1024xf32> to vector<1024x1xf32>
    %sub3A = vector.broadcast %broadcast_in_dim3A_90 : vector<1024x1xf32> to vector<1024x2xf32>
    %sub3A_91 = arith.subf %slice3A, %sub3A : vector<1024x2xf32>
    %reduce_max3A_92 = arith.constant dense<0xFF800000> : vector<1024xf32>
    %reduce_max3A_93 = vector.multi_reduction <maximumf>, %slice3A_87, %reduce_max3A_92 [1] : vector<1024x2xf32> to vector<1024xf32>
    %broadcast_in_dim3A_94 = vector.shape_cast %reduce_max3A_93 : vector<1024xf32> to vector<1024x1xf32>
    %sub3A_95 = vector.broadcast %broadcast_in_dim3A_94 : vector<1024x1xf32> to vector<1024x2xf32>
    %sub3A_96 = arith.subf %slice3A_87, %sub3A_95 : vector<1024x2xf32>
    %exp3A_97 = math.exp %sub3A_91 : vector<1024x2xf32>
    %exp3A_98 = math.exp %sub3A_96 : vector<1024x2xf32>
    %reduce_sum3A_99 = arith.constant dense<0.000000e+00> : vector<1024xf32>
    %reduce_sum3A_100 = vector.multi_reduction <add>, %exp3A_97, %reduce_sum3A_99 [1] : vector<1024x2xf32> to vector<1024xf32>
    %broadcast_in_dim3A_101 = vector.shape_cast %reduce_sum3A_100 : vector<1024xf32> to vector<1024x1xf32>
    %div3A_102 = vector.broadcast %broadcast_in_dim3A_101 : vector<1024x1xf32> to vector<1024x2xf32>
    %div3A_103 = arith.divf %exp3A_97, %div3A_102 : vector<1024x2xf32>
    %swap3A_104 = arith.constant 0 : index
    %swap3A_105 = arith.constant 0 : index
    %swap3A_106 = vector.load %arg8[%swap3A_104, %swap3A_105] : memref<1024x2xf32, #tpu.memory_space<vmem>>, vector<1024x2xf32>
    tpu.vector_store %arg8[%swap3A_104, %swap3A_105], %div3A_103 {strides = array<i32>} : memref<1024x2xf32, #tpu.memory_space<vmem>>, vector<1024x2xf32>,
    %reduce_sum3A_107 = arith.constant dense<0.000000e+00> : vector<1024xf32>
    %reduce_sum3A_108 = vector.multi_reduction <add>, %exp3A_98, %reduce_sum3A_107 [1] : vector<1024x2xf32> to vector<1024xf32>
    %broadcast_in_dim3A_109 = vector.shape_cast %reduce_sum3A_108 : vector<1024xf32> to vector<1024x1xf32>
    %div3A_110 = vector.broadcast %broadcast_in_dim3A_109 : vector<1024x1xf32> to vector<1024x2xf32>
    %div3A_111 = arith.divf %exp3A_98, %div3A_110 : vector<1024x2xf32>
    %swap3A_112 = arith.constant 0 : index
    %swap3A_113 = arith.constant 0 : index
    %swap3A_114 = vector.load %arg9[%swap3A_112, %swap3A_113] : memref<1024x2xf32, #tpu.memory_space<vmem>>, vector<1024x2xf32>
    tpu.vector_store %arg9[%swap3A_112, %swap3A_113], %div3A_111 {strides = array<i32>} : memref<1024x2xf32, #tpu.memory_space<vmem>>, vector<1024x2xf32>,
    return
  }
  func.func @transform_0(%arg0: i32) -> (i32, i32) {
    %c0_i32 = arith.constant 0 : i32
    %c0_i32_0 = arith.constant 0 : i32
    %c0_i32_1 = arith.constant 0 : i32
    return %c0_i32, %c0_i32_0 : i32, i32
  }
  func.func @transform_1(%arg0: i32) -> (i32, i32) {
    %c0_i32 = arith.constant 0 : i32
    %c0_i32_0 = arith.constant 0 : i32
    %c0_i32_1 = arith.constant 0 : i32
    return %c0_i32, %c0_i32_0 : i32, i32
  }
  func.func @transform_2(%arg0: i32) -> (i32, i32) {
    %c0_i32 = arith.constant 0 : i32
    %c0_i32_0 = arith.constant 0 : i32
    %c0_i32_1 = arith.constant 0 : i32
    return %c0_i32, %c0_i32_0 : i32, i32
  }
  func.func @transform_3(%arg0: i32) -> (i32, i32) {
    %c0_i32 = arith.constant 0 : i32
    %c0_i32_0 = arith.constant 0 : i32
    %c0_i32_1 = arith.constant 0 : i32
    return %c0_i32, %c0_i32_0 : i32, i32
  }
  func.func @transform_4(%arg0: i32) -> (i32, i32) {
    %c0_i32 = arith.constant 0 : i32
    %c0_i32_0 = arith.constant 0 : i32
    %c0_i32_1 = arith.constant 0 : i32
    return %c0_i32, %c0_i32_0 : i32, i32
  }
  func.func @transform_5(%arg0: i32) -> (i32, i32) {
    %c0_i32 = arith.constant 0 : i32
    %c0_i32_0 = arith.constant 0 : i32
    %c0_i32_1 = arith.constant 0 : i32
    return %c0_i32, %c0_i32_0 : i32, i32
  }
  func.func @transform_6(%arg0: i32) -> (i32, i32) {
    %c0_i32 = arith.constant 0 : i32
    %c0_i32_0 = arith.constant 0 : i32
    %c0_i32_1 = arith.constant 0 : i32
    return %c0_i32, %c0_i32_0 : i32, i32
  }
  func.func @transform_7(%arg0: i32) -> (i32, i32) {
    %c0_i32 = arith.constant 0 : i32
    %c0_i32_0 = arith.constant 0 : i32
    %c0_i32_1 = arith.constant 0 : i32
    return %c0_i32, %c0_i32_0 : i32, i32
  }
  func.func @transform_8(%arg0: i32) -> (i32, i32) {
    %c0_i32 = arith.constant 0 : i32
    %c0_i32_0 = arith.constant 0 : i32
    %c0_i32_1 = arith.constant 0 : i32
    return %c0_i32, %c0_i32_0 : i32, i32
  }
}

</mosaic_0001>

<sc_bundles>
// kernel: kernel.10.cloned.1.call-start
scs
__scs_entry_jumppad:
0x0: {  	(pc) =	sbr.rel $0x88, $3  }
0x1: {  	(tag) =	ssettag $0x0;
	lr =	simm.s32 $0x1  }
0x2: {  	[smem:$0x3F9D] =	sst lr;
	_ =	strace $0xD0000000  }
0x3: {  	_ = 	snop  }
0x4: {  	_ = 	snop  }
0x5: {  	_ = 	snop  }
0x6: {  	_ = 	snop  }
0x7: {  	_ = 	snop  }
__scs_overlays_trampoline_lowered:
0x8: {  	[smem:$0x3FAC] =	sst s0  }
0x9: {  	[smem:$0x3FAD] =	sst s1  }
0xa: {  	[smem:$0x3FAE] =	sst s2  }
0xb: {  	[smem:$0x3FAF] =	sst s3  }
0xc: {  	[smem:$0x3FB0] =	sst s4  }
0xd: {  	[smem:$0x3FB1] =	sst s5  }
0xe: {  	[smem:$0x3FB2] =	sst s6  }
0xf: {  	[smem:$0x3FB3] =	sst s7  }
0x10: {  	[smem:$0x3FB4] =	sst s8  }
0x11: {  	[smem:$0x3FB5] =	sst s9;
	s0 =	simm.s32 @!p0 $0x0  }
0x12: {  	s1 =	sld [smem:$0x3F9B];
	s0 =	simm.s32 @p0 $0x1  }
0x13: {  	[smem:$0x3FB6] =	sst s0;
	s0 =	simm.s32 @!p1 $0x0  }
0x14: {  	s2 =	sld [smem:$0x3F9A];
	s0 =	simm.s32 @p1 $0x1  }
0x15: {  	[smem:$0x3FB7] =	sst s0;
	s0 =	simm.s32 @!p2 $0x0  }
0x16: {  	s3 =	sld [smem:$0x3FDB];
	s0 =	simm.s32 @p2 $0x1  }
0x17: {  	s4 =	simm.s32 $0x1BF5;
	[smem:$0x3FB9] =	sst s0  }
0x18: {  	s0 =	sld [smem:$0x3F9C];
	_ =	swait.ge [sflag:s4], $0x0  }
0x19: {  	s7 =	sld [smem:$0x3F9D]  }
0x1a: {  	s8 =	sadd.s32 $0xFFFFE003, lr  }
0x1b: {  	s9 =	sadd.s32 $0xFFFFFEF7, lr;
	s5 =	simm.s32 $0xFFFFFFFF;
	p2 =	slt.u32 s8, $0xFFFFF086  }
0x1c: {  	p1 =	slt.u32 s9, $0xF7A;
	s5 =	simm.s32 @!p2 $0x0  }
0x1d: {  	s5 =	simm.s32 @p1 $0x1;
	p0 =	seq.s32 s7, s2  }
0x1e: {  	s7 =	smul.u32 @!p0 $0xF7A, s2;
	p2 =	seq.s32 @!p0 s5, $0x0  }
0x1f: {  	s9 =	smul.u32 $0xF7A, s1;
	s8 =	simm.s32 @!p0 $0x1BF5;
	p2 =	por !p2, p0  }
0x20: {  	[sflag:s8] =	ssyncset.s32 @!p0 $0xFFFFF086;
	s6 =	sadd.s32 @!p0 s3, s7;
	s7 =	simm.s32 @!p0 $0x108  }
0x21: {  	s3 =	sadd.s32 s3, s9;
	s6 =	sadd.s32 @!p0 $0x88, s6;
	s7 =	simm.s32 @p2 $0x1082  }
0x22: {  	[simem:s7], [sflag:s8] =	dma.local @!p0 [hbm:s6], $0xF7A  }
0x23: {  	s9 =	sor.u32 $0xD0000000, s2;
	s6 =	simm.s32 $0x108;
	_ =	swait.ge @!p0 [sflag:s8], $0x0  }
0x24: {  	s3 =	sadd.s32 $0x88, s3;
	s6 =	simm.s32 @!p1 $0x1082;
	[sflag:s4] =	ssyncset.s32 $0xFFFFF086  }
0x25: {  	[simem:s6], [sflag:s4] =	dma.local [hbm:s3], $0xF7A  }
0x26: {  	[smem:$0x3F9D] =	sst s1;
	(tag) =	ssettag s2;
	_ =	strace s9  }
0x27: {  	s1 =	sld [smem:$0x3FAD]  }
0x28: {  	s2 =	sld [smem:$0x3FAE]  }
0x29: {  	s4 =	sld [smem:$0x3FB0]  }
0x2a: {  	p0 =	seq.s32 s5, $0x0;
	s5 =	sld [smem:$0x3FB1]  }
0x2b: {  	s6 =	sld [smem:$0x3FB2]  }
0x2c: {  	s7 =	sld [smem:$0x3FB3]  }
0x2d: {  	s3 =	simm.s32 $0x108;
	s8 =	sld [smem:$0x3FB4]  }
0x2e: {  	s3 =	simm.s32 @!p0 $0x1082;
	s9 =	sld [smem:$0x3FB5]  }
0x2f: {  	lr =	sadd.s32 s0, s3;
	s0 =	sld [smem:$0x3FAC]  }
0x30: {  	s3 =	sld [smem:$0x3FAF]  }
0x31: {  	[smem:$0x3FB8] =	sst s10  }
0x32: {  	s10 =	sld [smem:$0x3FB6];
	_ =	sdelay $0x3  }
0x33: {  	p0 =	seq.s32 s10, $0x1;
	s10 =	sld [smem:$0x3FB8];
	_ =	sdelay $0x3  }
0x34: {  	[smem:$0x3FB8] =	sst s10  }
0x35: {  	s10 =	sld [smem:$0x3FB7];
	_ =	sdelay $0x3  }
0x36: {  	p1 =	seq.s32 s10, $0x1;
	s10 =	sld [smem:$0x3FB8];
	_ =	sdelay $0x3  }
0x37: {  	[smem:$0x3FB8] =	sst s10  }
0x38: {  	s10 =	sld [smem:$0x3FB9]  }
0x39: {  	_ = 	snop;
	(pc) =	sbr.ind lr, $3  }
0x3a: {  	_ = 	snop  }
0x3b: {  	_ = 	snop  }
0x3c: {  	p2 =	seq.s32 s10, $0x1;
	s10 =	sld [smem:$0x3FB8]  }
0x3d: {  	_ =	shalt  }
0x3e: {  	_ =	shalt  }
0x3f: {  	_ =	shalt  }
0x40: {  	_ =	shalt  }
0x41: {  	_ =	shalt  }
0x42: {  	_ =	shalt  }
0x43: {  	_ =	shalt  }
0x44: {  	_ =	shalt  }
0x45: {  	_ =	shalt  }
0x46: {  	_ =	shalt  }
0x47: {  	_ =	shalt  }
0x48: {  	_ =	shalt  }
0x49: {  	_ =	shalt  }
0x4a: {  	_ =	shalt  }
0x4b: {  	_ =	shalt  }
0x4c: {  	_ =	shalt  }
0x4d: {  	_ =	shalt  }
0x4e: {  	_ =	shalt  }
0x4f: {  	_ =	shalt  }
0x50: {  	_ =	shalt  }
0x51: {  	_ =	shalt  }
0x52: {  	_ =	shalt  }
0x53: {  	_ =	shalt  }
0x54: {  	_ =	shalt  }
0x55: {  	_ =	shalt  }
0x56: {  	_ =	shalt  }
0x57: {  	_ =	shalt  }
0x58: {  	_ =	shalt  }
0x59: {  	_ =	shalt  }
0x5a: {  	_ =	shalt  }
0x5b: {  	_ =	shalt  }
0x5c: {  	_ =	shalt  }
0x5d: {  	_ =	shalt  }
0x5e: {  	_ =	shalt  }
0x5f: {  	_ =	shalt  }
0x60: {  	_ =	shalt  }
0x61: {  	_ =	shalt  }
0x62: {  	_ =	shalt  }
0x63: {  	_ =	shalt  }
0x64: {  	_ =	shalt  }
0x65: {  	_ =	shalt  }
0x66: {  	_ =	shalt  }
0x67: {  	_ =	shalt  }
0x68: {  	_ =	shalt  }
0x69: {  	_ =	shalt  }
0x6a: {  	_ =	shalt  }
0x6b: {  	_ =	shalt  }
0x6c: {  	_ =	shalt  }
0x6d: {  	_ =	shalt  }
0x6e: {  	_ =	shalt  }
0x6f: {  	_ =	shalt  }
0x70: {  	_ =	shalt  }
0x71: {  	_ =	shalt  }
0x72: {  	_ =	shalt  }
0x73: {  	_ =	shalt  }
0x74: {  	_ =	shalt  }
0x75: {  	_ =	shalt  }
0x76: {  	_ =	shalt  }
0x77: {  	_ =	shalt  }
0x78: {  	_ =	shalt  }
0x79: {  	_ =	shalt  }
0x7a: {  	_ =	shalt  }
0x7b: {  	_ =	shalt  }
0x7c: {  	_ =	shalt  }
0x7d: {  	_ =	shalt  }
0x7e: {  	_ =	shalt  }
0x7f: {  	_ =	shalt  }
0x80: {  	_ =	shalt  }
0x81: {  	_ =	shalt  }
0x82: {  	_ =	shalt  }
0x83: {  	_ =	shalt  }
0x84: {  	_ =	shalt  }
0x85: {  	_ =	shalt  }
0x86: {  	_ =	shalt  }
0x87: {  	_ =	shalt  }
.Lfunc_end0:
.L_simem_size_0:
called_computation.1_lowered:
.L_overlay_start_0:
0x88: {  	s2 =	sld [smem:$0x3FD9]  }
0x89: {  	s3 =	sld [smem:$0x3FFE];
	_ =	sdelay $0x1  }
0x8a: {  	s1 =	srdreg.scid  }
0x8b: {  	s0 =	sand.u32 $0x1, s1  }
0x8c: {  	s15 =	sshll.u32 s0, $0xA;
	s2 =	sadd.s32 s3, s2  }
0x8d: {  	s2 =	sadd.s32 s2, s15  }
0x8e: {  	[smem:$0x3FC4] =	sst s2  }
0x8f: {  	_ = 	snop  }
0x90: {  	s16 =	sld [smem:$0x3FD0];
	_ =	sdelay $0x2  }
0x91: {  	s5 =	simm.s32 $0xB;
	s4 =	simm.s32 $0x10;
	s2 =	sld [smem:$0x3FC7]  }
0x92: {  	[smem:s4], [sflag:s5] =	dma.local [hbm:s16], $0x1  }
0x93: {  	_ =	swait.eq [sflag:s5], $0x1  }
0x94: {  	[sflag:s5] =	ssyncset.done $0x0  }
0x95: {  	s17 =	sld [smem:$0x11];
	[sflag:s5] =	ssyncadd.s32 $0xFFFFFFFF  }
0x96: {  	s18 =	sld [smem:$0x13];
	(tm) =	ssettm $0x1  }
0x97: {  	s19 =	sld [smem:$0x3FFB];
	_ =	sdelay $0x3  }
0x98: {  	_ =	strace s19  }
0x99: {  	s3 =	sld [smem:$0x3FFC];
	_ =	sdelay $0x3  }
0x9a: {  	_ =	strace s3  }
0x9b: {  	s3 =	sld [smem:$0x3FFD];
	_ =	sdelay $0x3  }
0x9c: {  	_ =	strace s3  }
0x9d: {  	_ =	strace $0x8FFFFFFF  }
0x9e: {  	s20 =	sld [smem:$0x3FDB];
	_ =	sdelay $0x1  }
0x9f: {  	s6 =	simm.s32 $_scs_section_size  }
0xa0: {  	s7 =	simm.s32 $_size__tile_overlayer_lowered;
	s8 =	simm.s32 $_tile_overlayer_lowered  }
0xa1: {  	s9 =	simm.s32 $0x1BFF;
	s21 =	sshll.u32 s8, $0x1;
	s6 =	sadd.s32 s6, s20  }
0xa2: {  	s22 =	simm.s32 $0x0;
	s7 =	sshll.u32 s7, $0x1;
	s8 =	sadd.s32 s21, s6  }
0xa3: {  	[timem:s22], [sflag:s9] =	dma.local [hbm:s8], s7  }
0xa4: {  	_ =	swait.ge [sflag:s9], s7  }
0xa5: {  	s7 =	ssub.s32 $0x0, s7;
	[sflag:s9] =	ssyncset.done $0x0  }
0xa6: {  	[sflag:s9] =	ssyncadd.s32 s7;
	_ =	sdelay $0x1  }
0xa7: {  	s23 =	simm.s32 $0x1B8B  }
0xa8: {  	_ =	swait.ge [sflag:s23], $0x1  }
0xa9: {  	[sflag:s23] =	ssyncset.done $0x0  }
0xaa: {  	[sflag:s23] =	ssyncadd.s32 $0xFFFFFFFF  }
0xab: {  	s7 =	sld [smem:$0x0]  }
0xac: {  	s8 =	sand.u32 $0xFFFFFFFE, s1  }
0xad: {  	p0 =	sne.s32 s1, s8  }
0xae: {  	s8 =	sshll.u32 @p0 s8, $0xE  }
0xaf: {  	s8 =	sadd.s32 @p0 $0x11B8D, s8;
	s9 =	sshll.u32 @p0 s7, $0x11  }
0xb0: {  	s8 =	sor.u32 @p0 s9, s8  }
0xb1: {  	[sflag:s8] =	ssyncadd.remote.s32 @p0 $0x1;
	_ =	sdelay $0x1  }
0xb2: {  	s8 =	simm.s32 @p0 $0x1B8D  }
0xb3: {  	_ =	swait.eq @p0 [sflag:s8], $0x1  }
0xb4: {  	[sflag:s8] =	ssyncadd.s32 @p0 $0xFFFFFFFF  }
0xb5: {  	s9 =	sshll.u32 @!p0 s1, $0xE  }
0xb6: {  	s9 =	sor.u32 @!p0 $0x4000, s9;
	s8 =	simm.s32 @!p0 $0x1B8D  }
0xb7: {  	s7 =	sshll.u32 @!p0 s7, $0x11;
	s9 =	sadd.s32 @!p0 $0x11B8D, s9;
	_ =	swait.eq @!p0 [sflag:s8], $0x1  }
0xb8: {  	s7 =	sor.u32 @!p0 s7, s9;
	[sflag:s8] =	ssyncadd.s32 @!p0 $0xFFFFFFFF  }
0xb9: {  	s25 =	simm.s32 $0x1B8E;
	s24 =	sld [smem:$0x3FFE];
	[sflag:s7] =	ssyncadd.remote.s32 @!p0 $0x1  }
0xba: {  	s26 =	simm.s32 $execute0_lowered;
	[smem:$0x3FD2] =	sst s25  }
0xbb: {  	s8 =	sshll.u32 s26, $0x1;
	_ =	strace $0x80000049;
	[dreg:$0x1] =	wrdreg $0xFFFFFFFF  }
0xbc: {  	s28 =	simm.s32 $_size_execute0_lowered;
	s6 =	sadd.s32 s6, s8;
	[dreg:$0x0] =	wrdreg $0x0  }
0xbd: {  	s8 =	sshll.u32 s28, $0x1;
	[dreg:$0x2] =	wrdreg s6  }
0xbe: {  	[dreg:$0x3] =	wrdreg s8  }
0xbf: {  	[dreg:$0x4] =	wrdreg $0xC0  }
0xc0: {  	_ =	task [dreg:s22], $0x5FFFF  }
0xc1: {  	[dreg:$0x1] =	wrdreg $0xFFFFFFFF  }
0xc2: {  	[dreg:$0x0] =	wrdreg $0x60  }
0xc3: {  	[dreg:$0x2] =	wrdreg s24  }
0xc4: {  	[dreg:$0x3] =	wrdreg s2  }
0xc5: {  	[dreg:$0x4] =	wrdreg s17  }
0xc6: {  	[dreg:$0x5] =	wrdreg s18  }
0xc7: {  	[dreg:$0x6] =	wrdreg $0xA  }
0xc8: {  	_ =	task.clear_ibuf [dreg:s22], $0x7FFFF;
	_ =	strace $0x90000049  }
0xc9: {  	s29 =	simm.s32 $0xA;
	_ =	strace $0x8000004B  }
0xca: {  	_ =	swait.ge [sflag:s29], $0x1  }
0xcb: {  	[sflag:s29] =	ssyncadd.s32 $0xFFFFFFFF  }
0xcc: {  	_ =	strace $0x9000004B  }
0xcd: {  	_ =	sfence  }
0xce: {  	s30 =	sld [smem:$0x0];
	_ =	sdelay $0x2  }
0xcf: {  	s31 =	sshll.u32 s1, $0xD;
	s1 =	sshrl.u32 s1, $0x2  }
0xd0: {  	s4 =	sand.u32 $0x4000, s31;
	s1 =	sadd.s32 s1, s30  }
0xd1: {  	s0 =	sor.u32 s4, s0;
	s1 =	sshll.u32 s1, $0x11  }
0xd2: {  	s0 =	sor.u32 s1, s0  }
0xd3: {  	s0 =	sadd.s32 $0x8F2B, s0  }
0xd4: {  	[sflag:s0] =	ssyncadd.remote.s32 $0x1  }
0xd5: {  	_ =	sfence.sel $0xFFFF  }
0xd6: {  	[dreg:$0x0] =	wrdreg $0xFFFFFFFF;
	(pc) =	sbr.abs _section_cstart, $3  }
0xd7: {  	[dreg:$0x1] =	wrdreg $0xFFFFFFFF  }
0xd8: {  	_ =	task.clear_ibuf [dreg:s22], $0x2FFFF;
	_ =	strace $0x9FFFFFFF  }
0xd9: {  	(tm) =	ssettm $0x7FFFFFFF  }
tec
execute0_lowered:
.L_overlay_start_1:
0x0: {  	(tag) =	ssettag $0x1  }
0x1: {  	s4 =	rddreg [dreg:$0x0]  }
0x2: {  	s1 =	rddreg [dreg:$0x1];
	s2 =	srdreg.scid  }
0x3: {  	s5 =	rddreg [dreg:$0x2];
	s0 =	stileid.u32  }
0x4: {  	s7 =	rddreg [dreg:$0x3];
	s3 =	simm.s32 $0x0;
	s31 =	simm.s32 $0x1080  }
0x5: {  	s11 =	simm.s32 $0x2080;
	s6 =	sand.u32 $0x1, s2;
	s2 =	rddreg [dreg:$0x4]  }
0x6: {  	s12 =	simm.s32 $0x3080;
	s13 =	simm.s32 $0x4080;
	[smem:$0x7FF] =	sst s3  }
0x7: {  	s14 =	simm.s32 $0x5080;
	_ =	strace $0x8000004A;
	[dreg:$0x7] =	wrdreg s31  }
0x8: {  	s15 =	simm.s32 $0x6080;
	s16 =	simm.s32 $0x7080;
	[dreg:$0x8] =	wrdreg s11  }
0x9: {  	s17 =	simm.s32 $0x8080;
	s18 =	simm.s32 $0x9080;
	[dreg:$0x9] =	wrdreg s12  }
0xa: {  	s19 =	simm.s32 $0xA080;
	s20 =	simm.s32 $0xB080;
	[dreg:$0xa] =	wrdreg s13  }
0xb: {  	s21 =	simm.s32 $0xC080;
	s22 =	simm.s32 $0xD080;
	[dreg:$0xb] =	wrdreg s14  }
0xc: {  	s23 =	simm.s32 $0xE080;
	s24 =	simm.s32 $0xF080;
	[dreg:$0xc] =	wrdreg s15  }
0xd: {  	s25 =	simm.s32 $0x1;
	s8 =	sshll.u32 s0, $0x8;
	[dreg:$0xd] =	wrdreg s16  }
0xe: {  	s9 =	sshll.u32 s6, $0x7;
	s6 =	ssub.s32 $0x2, s6;
	[dreg:$0xe] =	wrdreg s17  }
0xf: {  	s11 =	simm.s32 $0x2880;
	s12 =	simm.s32 $0x3880;
	[dreg:$0xf] =	wrdreg s18  }
0x10: {  	s13 =	simm.s32 $0x4880;
	s14 =	simm.s32 $0x5880;
	[dreg:$0x10] =	wrdreg s19  }
0x11: {  	s15 =	simm.s32 $0x6880;
	s16 =	simm.s32 $0x7880;
	[dreg:$0x11] =	wrdreg s20  }
0x12: {  	s17 =	simm.s32 $0x8880;
	s18 =	simm.s32 $0x9880;
	[dreg:$0x12] =	wrdreg s21  }
0x13: {  	s19 =	simm.s32 $0xA880;
	s20 =	simm.s32 $0xB880;
	[dreg:$0x13] =	wrdreg s22  }
0x14: {  	s21 =	simm.s32 $0xC880;
	s22 =	simm.s32 $0xD880;
	[dreg:$0x14] =	wrdreg s23  }
0x15: {  	s23 =	simm.s32 $0xE880;
	[dreg:$0x15] =	wrdreg s24;
	s8 =	sor.u32 s9, s8  }
0x16: {  	s24 =	simm.s32 $0xF880;
	s29 =	sshrl.u32 s6, $0x1;
	s9 =	sshrl.u32 s8, $0x3  }
0x17: {  	s10 =	sshll.u32 s8, $0x6;
	s6 =	ssub.s32 s6, s29;
	s30 =	sshll.u32 s8, $0x5  }
0x18: {  	s8 =	simm.s32 $0x80;
	s4 =	sadd.s32 s9, s4;
	s5 =	sadd.s32 s5, s10  }
0x19: {  	v2 =	vlaneseq.u32;
	s6 =	smax.u32 s6, $0x1;
	s9 =	simm.s32 $0x880;
	s10 =	simm.s32 $0x1880  }
0x1a: {  	vm0 =	vmmov $0xffff;
	v1 =	vshrl.u32 v2, $0x3;
	s4 =	sadd.s32 $0xE00, s4;
	[dreg:$0x6] =	wrdreg s5;
	s5 =	sadd.s32 s7, s30  }
0x1b: {  	v0 =	vand.u32 $0x7, v2;
	v2 =	vor.u32 $0x8, v2;
	v1 =	vmul.u32 $0x8, v1;
	s7 =	simm.s32 $0x2;
	[dreg:$0x5] =	wrdreg s4;
	s4 =	sadd.s32 $0x100, s1  }
.LBB2_1:
0x1c: {  	s26 =	rddreg [dreg:$0x5]  }
0x1d: {  	[tilespmem:s3], [sflag:$0x2] =	stream.linear.gather [hbm4b:s26+s3], $0x80, $0x38;
	[tilespmem:$0x10080] =	vst v63  }
0x1e: {  	_ =	swait.ge [sflag:s7], $0x80  }
0x1f: {  	[sflag:s7] =	ssyncset.done $0x0  }
0x20: {  	[sflag:s7] =	ssyncadd.s32 $0xFFFFFF80  }
0x21: {  	v3 =	vld [tilespmem:$0x0];
	_ =	sdelay $0x4  }
0x22: {  	v4 =	vshll.u32 v3, $0x2  }
0x23: {  	v3 =	vand.u32 $0x7, v3;
	v4 =	vand.u32 $0xFFFFFFE0, v4  }
0x24: {  	v3 =	vor.u32 v3, v4  }
0x25: {  	v4 =	vperm.xlane v3, v0;
	_ =	sdelay $0x1  }
0x26: {  	v4 =	vadd.s32 v1, v4;
	_ =	sdelay $0x1  }
0x27: {  	v3 =	vperm.xlane v3, v2;
	_ =	sdelay $0x1  }
0x28: {  	v3 =	vadd.s32 v1, v3  }
0x29: {  	[tilespmem:s8], [sflag:$0x1] =	stream.indirect_vreg.gather [hbm4b:s1+s3], $0x80, v4, vm0, $0xb8;
	[tilespmem:$0x10080] =	vst v63  }
0x2a: {  	_ = 	snop  }
0x2b: {  	[tilespmem:s9], [sflag:$0x1] =	stream.indirect_vreg.gather [hbm4b:s4+s3], $0x80, v4, vm0, $0xb8;
	[tilespmem:$0x10080] =	vst v63  }
0x2c: {  	s29 =	rddreg [dreg:$0x7]  }
0x2d: {  	[tilespmem:s29], [sflag:$0x1] =	stream.indirect_vreg.gather [hbm4b:s1+s3], $0x80, v3, vm0, $0xb8;
	[tilespmem:$0x10080] =	vst v63  }
0x2e: {  	_ = 	snop  }
0x2f: {  	[tilespmem:s10], [sflag:$0x1] =	stream.indirect_vreg.gather [hbm4b:s4+s3], $0x80, v3, vm0, $0xb8;
	[tilespmem:$0x10080] =	vst v63  }
0x30: {  	v3 =	vld [tilespmem:$0x10];
	_ =	sdelay $0x4  }
0x31: {  	v57 =	vshll.u32 v3, $0x2  }
0x32: {  	v3 =	vand.u32 $0x7, v3;
	v4 =	vand.u32 $0xFFFFFFE0, v57  }
0x33: {  	v3 =	vor.u32 v3, v4  }
0x34: {  	v4 =	vperm.xlane v3, v0;
	_ =	sdelay $0x1  }
0x35: {  	v4 =	vadd.s32 v1, v4;
	_ =	sdelay $0x1  }
0x36: {  	v3 =	vperm.xlane v3, v2;
	_ =	sdelay $0x1  }
0x37: {  	s30 =	rddreg [dreg:$0x8];
	v3 =	vadd.s32 v1, v3  }
0x38: {  	[tilespmem:s30], [sflag:$0x1] =	stream.indirect_vreg.gather [hbm4b:s1+s3], $0x80, v4, vm0, $0xb8;
	[tilespmem:$0x10080] =	vst v63  }
0x39: {  	_ = 	snop  }
0x3a: {  	[tilespmem:s11], [sflag:$0x1] =	stream.indirect_vreg.gather [hbm4b:s4+s3], $0x80, v4, vm0, $0xb8;
	[tilespmem:$0x10080] =	vst v63  }
0x3b: {  	s31 =	rddreg [dreg:$0x9]  }
0x3c: {  	[tilespmem:s31], [sflag:$0x1] =	stream.indirect_vreg.gather [hbm4b:s1+s3], $0x80, v3, vm0, $0xb8;
	[tilespmem:$0x10080] =	vst v63  }
0x3d: {  	_ = 	snop  }
0x3e: {  	[tilespmem:s12], [sflag:$0x1] =	stream.indirect_vreg.gather [hbm4b:s4+s3], $0x80, v3, vm0, $0xb8;
	[tilespmem:$0x10080] =	vst v63  }
0x3f: {  	v3 =	vld [tilespmem:$0x20];
	_ =	sdelay $0x4  }
0x40: {  	v58 =	vshll.u32 v3, $0x2  }
0x41: {  	v3 =	vand.u32 $0x7, v3;
	v4 =	vand.u32 $0xFFFFFFE0, v58  }
0x42: {  	v3 =	vor.u32 v3, v4  }
0x43: {  	v4 =	vperm.xlane v3, v0;
	_ =	sdelay $0x1  }
0x44: {  	v4 =	vadd.s32 v1, v4;
	_ =	sdelay $0x1  }
0x45: {  	v3 =	vperm.xlane v3, v2;
	_ =	sdelay $0x1  }
0x46: {  	s28 =	rddreg [dreg:$0xa];
	v3 =	vadd.s32 v1, v3  }
0x47: {  	[tilespmem:s28], [sflag:$0x1] =	stream.indirect_vreg.gather [hbm4b:s1+s3], $0x80, v4, vm0, $0xb8;
	[tilespmem:$0x10080] =	vst v63  }
0x48: {  	_ = 	snop  }
0x49: {  	[tilespmem:s13], [sflag:$0x1] =	stream.indirect_vreg.gather [hbm4b:s4+s3], $0x80, v4, vm0, $0xb8;
	[tilespmem:$0x10080] =	vst v63  }
0x4a: {  	s29 =	rddreg [dreg:$0xb]  }
0x4b: {  	[tilespmem:s29], [sflag:$0x1] =	stream.indirect_vreg.gather [hbm4b:s1+s3], $0x80, v3, vm0, $0xb8;
	[tilespmem:$0x10080] =	vst v63  }
0x4c: {  	_ = 	snop  }
0x4d: {  	[tilespmem:s14], [sflag:$0x1] =	stream.indirect_vreg.gather [hbm4b:s4+s3], $0x80, v3, vm0, $0xb8;
	[tilespmem:$0x10080] =	vst v63  }
0x4e: {  	v3 =	vld [tilespmem:$0x30];
	_ =	sdelay $0x4  }
0x4f: {  	v59 =	vshll.u32 v3, $0x2  }
0x50: {  	v3 =	vand.u32 $0x7, v3;
	v4 =	vand.u32 $0xFFFFFFE0, v59  }
0x51: {  	v3 =	vor.u32 v3, v4  }
0x52: {  	v4 =	vperm.xlane v3, v0;
	_ =	sdelay $0x1  }
0x53: {  	v4 =	vadd.s32 v1, v4;
	_ =	sdelay $0x1  }
0x54: {  	v3 =	vperm.xlane v3, v2;
	_ =	sdelay $0x1  }
0x55: {  	s30 =	rddreg [dreg:$0xc];
	v3 =	vadd.s32 v1, v3  }
0x56: {  	[tilespmem:s30], [sflag:$0x1] =	stream.indirect_vreg.gather [hbm4b:s1+s3], $0x80, v4, vm0, $0xb8;
	[tilespmem:$0x10080] =	vst v63  }
0x57: {  	_ = 	snop  }
0x58: {  	[tilespmem:s15], [sflag:$0x1] =	stream.indirect_vreg.gather [hbm4b:s4+s3], $0x80, v4, vm0, $0xb8;
	[tilespmem:$0x10080] =	vst v63  }
0x59: {  	s31 =	rddreg [dreg:$0xd]  }
0x5a: {  	[tilespmem:s31], [sflag:$0x1] =	stream.indirect_vreg.gather [hbm4b:s1+s3], $0x80, v3, vm0, $0xb8;
	[tilespmem:$0x10080] =	vst v63  }
0x5b: {  	_ = 	snop  }
0x5c: {  	[tilespmem:s16], [sflag:$0x1] =	stream.indirect_vreg.gather [hbm4b:s4+s3], $0x80, v3, vm0, $0xb8;
	[tilespmem:$0x10080] =	vst v63  }
0x5d: {  	v3 =	vld [tilespmem:$0x40];
	_ =	sdelay $0x4  }
0x5e: {  	v60 =	vshll.u32 v3, $0x2  }
0x5f: {  	v3 =	vand.u32 $0x7, v3;
	v4 =	vand.u32 $0xFFFFFFE0, v60  }
0x60: {  	v3 =	vor.u32 v3, v4  }
0x61: {  	v4 =	vperm.xlane v3, v0;
	_ =	sdelay $0x1  }
0x62: {  	v4 =	vadd.s32 v1, v4;
	_ =	sdelay $0x1  }
0x63: {  	v3 =	vperm.xlane v3, v2;
	_ =	sdelay $0x1  }
0x64: {  	s28 =	rddreg [dreg:$0xe];
	v3 =	vadd.s32 v1, v3  }
0x65: {  	[tilespmem:s28], [sflag:$0x1] =	stream.indirect_vreg.gather [hbm4b:s1+s3], $0x80, v4, vm0, $0xb8;
	[tilespmem:$0x10080] =	vst v63  }
0x66: {  	_ = 	snop  }
0x67: {  	[tilespmem:s17], [sflag:$0x1] =	stream.indirect_vreg.gather [hbm4b:s4+s3], $0x80, v4, vm0, $0xb8;
	[tilespmem:$0x10080] =	vst v63  }
0x68: {  	s29 =	rddreg [dreg:$0xf]  }
0x69: {  	[tilespmem:s29], [sflag:$0x1] =	stream.indirect_vreg.gather [hbm4b:s1+s3], $0x80, v3, vm0, $0xb8;
	[tilespmem:$0x10080] =	vst v63  }
0x6a: {  	_ = 	snop  }
0x6b: {  	[tilespmem:s18], [sflag:$0x1] =	stream.indirect_vreg.gather [hbm4b:s4+s3], $0x80, v3, vm0, $0xb8;
	[tilespmem:$0x10080] =	vst v63  }
0x6c: {  	v3 =	vld [tilespmem:$0x50];
	_ =	sdelay $0x4  }
0x6d: {  	v61 =	vshll.u32 v3, $0x2  }
0x6e: {  	v3 =	vand.u32 $0x7, v3;
	v4 =	vand.u32 $0xFFFFFFE0, v61  }
0x6f: {  	v3 =	vor.u32 v3, v4  }
0x70: {  	v4 =	vperm.xlane v3, v0;
	_ =	sdelay $0x1  }
0x71: {  	v4 =	vadd.s32 v1, v4;
	_ =	sdelay $0x1  }
0x72: {  	v3 =	vperm.xlane v3, v2;
	_ =	sdelay $0x1  }
0x73: {  	s30 =	rddreg [dreg:$0x10];
	v3 =	vadd.s32 v1, v3  }
0x74: {  	[tilespmem:s30], [sflag:$0x1] =	stream.indirect_vreg.gather [hbm4b:s1+s3], $0x80, v4, vm0, $0xb8;
	[tilespmem:$0x10080] =	vst v63  }
0x75: {  	_ = 	snop  }
0x76: {  	[tilespmem:s19], [sflag:$0x1] =	stream.indirect_vreg.gather [hbm4b:s4+s3], $0x80, v4, vm0, $0xb8;
	[tilespmem:$0x10080] =	vst v63  }
0x77: {  	s31 =	rddreg [dreg:$0x11]  }
0x78: {  	[tilespmem:s31], [sflag:$0x1] =	stream.indirect_vreg.gather [hbm4b:s1+s3], $0x80, v3, vm0, $0xb8;
	[tilespmem:$0x10080] =	vst v63  }
0x79: {  	_ = 	snop  }
0x7a: {  	[tilespmem:s20], [sflag:$0x1] =	stream.indirect_vreg.gather [hbm4b:s4+s3], $0x80, v3, vm0, $0xb8;
	[tilespmem:$0x10080] =	vst v63  }
0x7b: {  	v3 =	vld [tilespmem:$0x60];
	_ =	sdelay $0x4  }
0x7c: {  	v62 =	vshll.u32 v3, $0x2  }
0x7d: {  	v3 =	vand.u32 $0x7, v3;
	v4 =	vand.u32 $0xFFFFFFE0, v62  }
0x7e: {  	v3 =	vor.u32 v3, v4  }
0x7f: {  	v4 =	vperm.xlane v3, v0;
	_ =	sdelay $0x1  }
0x80: {  	v4 =	vadd.s32 v1, v4;
	_ =	sdelay $0x1  }
0x81: {  	v3 =	vperm.xlane v3, v2;
	_ =	sdelay $0x1  }
0x82: {  	s28 =	rddreg [dreg:$0x12];
	v3 =	vadd.s32 v1, v3  }
0x83: {  	[tilespmem:s28], [sflag:$0x1] =	stream.indirect_vreg.gather [hbm4b:s1+s3], $0x80, v4, vm0, $0xb8;
	[tilespmem:$0x10080] =	vst v63  }
0x84: {  	_ = 	snop  }
0x85: {  	[tilespmem:s21], [sflag:$0x1] =	stream.indirect_vreg.gather [hbm4b:s4+s3], $0x80, v4, vm0, $0xb8;
	[tilespmem:$0x10080] =	vst v63  }
0x86: {  	s29 =	rddreg [dreg:$0x13]  }
0x87: {  	[tilespmem:s29], [sflag:$0x1] =	stream.indirect_vreg.gather [hbm4b:s1+s3], $0x80, v3, vm0, $0xb8;
	[tilespmem:$0x10080] =	vst v63  }
0x88: {  	_ = 	snop  }
0x89: {  	[tilespmem:s22], [sflag:$0x1] =	stream.indirect_vreg.gather [hbm4b:s4+s3], $0x80, v3, vm0, $0xb8;
	[tilespmem:$0x10080] =	vst v63  }
0x8a: {  	v3 =	vld [tilespmem:$0x70];
	_ =	sdelay $0x4  }
0x8b: {  	v63 =	vshll.u32 v3, $0x2  }
0x8c: {  	v3 =	vand.u32 $0x7, v3;
	v4 =	vand.u32 $0xFFFFFFE0, v63  }
0x8d: {  	v3 =	vor.u32 v3, v4  }
0x8e: {  	v4 =	vperm.xlane v3, v0;
	_ =	sdelay $0x1  }
0x8f: {  	v4 =	vadd.s32 v1, v4;
	_ =	sdelay $0x1  }
0x90: {  	v3 =	vperm.xlane v3, v2;
	_ =	sdelay $0x1  }
0x91: {  	s30 =	rddreg [dreg:$0x14];
	v3 =	vadd.s32 v1, v3  }
0x92: {  	[tilespmem:s30], [sflag:$0x1] =	stream.indirect_vreg.gather [hbm4b:s1+s3], $0x80, v4, vm0, $0xb8;
	[tilespmem:$0x10080] =	vst v63  }
0x93: {  	_ = 	snop  }
0x94: {  	[tilespmem:s23], [sflag:$0x1] =	stream.indirect_vreg.gather [hbm4b:s4+s3], $0x80, v4, vm0, $0xb8;
	[tilespmem:$0x10080] =	vst v63  }
0x95: {  	s31 =	rddreg [dreg:$0x15]  }
0x96: {  	[tilespmem:s31], [sflag:$0x1] =	stream.indirect_vreg.gather [hbm4b:s1+s3], $0x80, v3, vm0, $0xb8;
	[tilespmem:$0x10080] =	vst v63  }
0x97: {  	_ = 	snop  }
0x98: {  	[tilespmem:s24], [sflag:$0x1] =	stream.indirect_vreg.gather [hbm4b:s4+s3], $0x80, v3, vm0, $0xb8;
	[tilespmem:$0x10080] =	vst v63  }
0x99: {  	_ =	swait.ge [sflag:s25], $0x10000  }
0x9a: {  	[sflag:s25] =	ssyncset.done $0x0  }
0x9b: {  	s28 =	rddreg [dreg:$0x6];
	[sflag:s25] =	ssyncadd.s32 $0xFFFF0000  }
0x9c: {  	[hbm4b:s28+s3] =	stream.linear.scatter [tilespmem:s8], [sflag:$0x2], $0x10000, $0x38;
	[tilespmem:$0x10080] =	vst v63  }
0x9d: {  	_ =	swait.ge [sflag:s7], $0x10000  }
0x9e: {  	[sflag:s7] =	ssyncset.done $0x0  }
0x9f: {  	[sflag:s7] =	ssyncadd.s32 $0xFFFF0000  }
0xa0: {  	[hbm4b:s5+s3] =	stream.linear.scatter [tilespmem:s9], [sflag:$0x2], $0x800, $0x38;
	[tilespmem:$0x10080] =	vst v63  }
0xa1: {  	s29 =	sadd.s32 $0x100, s5  }
0xa2: {  	[hbm4b:s29+s3] =	stream.linear.scatter [tilespmem:s10], [sflag:$0x2], $0x800, $0x38;
	[tilespmem:$0x10080] =	vst v63  }
0xa3: {  	s30 =	sadd.s32 $0x200, s5  }
0xa4: {  	[hbm4b:s30+s3] =	stream.linear.scatter [tilespmem:s11], [sflag:$0x2], $0x800, $0x38;
	[tilespmem:$0x10080] =	vst v63  }
0xa5: {  	s31 =	sadd.s32 $0x300, s5  }
0xa6: {  	[hbm4b:s31+s3] =	stream.linear.scatter [tilespmem:s12], [sflag:$0x2], $0x800, $0x38;
	[tilespmem:$0x10080] =	vst v63  }
0xa7: {  	s28 =	sadd.s32 $0x400, s5  }
0xa8: {  	[hbm4b:s28+s3] =	stream.linear.scatter [tilespmem:s13], [sflag:$0x2], $0x800, $0x38;
	[tilespmem:$0x10080] =	vst v63  }
0xa9: {  	s29 =	sadd.s32 $0x500, s5  }
0xaa: {  	[hbm4b:s29+s3] =	stream.linear.scatter [tilespmem:s14], [sflag:$0x2], $0x800, $0x38;
	[tilespmem:$0x10080] =	vst v63  }
0xab: {  	s30 =	sadd.s32 $0x600, s5  }
0xac: {  	[hbm4b:s30+s3] =	stream.linear.scatter [tilespmem:s15], [sflag:$0x2], $0x800, $0x38;
	[tilespmem:$0x10080] =	vst v63  }
0xad: {  	s31 =	sadd.s32 $0x700, s5  }
0xae: {  	[hbm4b:s31+s3] =	stream.linear.scatter [tilespmem:s16], [sflag:$0x2], $0x800, $0x38;
	[tilespmem:$0x10080] =	vst v63  }
0xaf: {  	s28 =	sadd.s32 $0x800, s5  }
0xb0: {  	[hbm4b:s28+s3] =	stream.linear.scatter [tilespmem:s17], [sflag:$0x2], $0x800, $0x38;
	[tilespmem:$0x10080] =	vst v63  }
0xb1: {  	s29 =	sadd.s32 $0x900, s5  }
0xb2: {  	[hbm4b:s29+s3] =	stream.linear.scatter [tilespmem:s18], [sflag:$0x2], $0x800, $0x38;
	[tilespmem:$0x10080] =	vst v63  }
0xb3: {  	s30 =	sadd.s32 $0xA00, s5  }
0xb4: {  	[hbm4b:s30+s3] =	stream.linear.scatter [tilespmem:s19], [sflag:$0x2], $0x800, $0x38;
	[tilespmem:$0x10080] =	vst v63  }
0xb5: {  	s31 =	sadd.s32 $0xB00, s5  }
0xb6: {  	[hbm4b:s31+s3] =	stream.linear.scatter [tilespmem:s20], [sflag:$0x2], $0x800, $0x38;
	[tilespmem:$0x10080] =	vst v63  }
0xb7: {  	s28 =	sadd.s32 $0xC00, s5  }
0xb8: {  	[hbm4b:s28+s3] =	stream.linear.scatter [tilespmem:s21], [sflag:$0x2], $0x800, $0x38;
	[tilespmem:$0x10080] =	vst v63  }
0xb9: {  	s29 =	sadd.s32 $0xD00, s5  }
0xba: {  	[hbm4b:s29+s3] =	stream.linear.scatter [tilespmem:s22], [sflag:$0x2], $0x800, $0x38;
	[tilespmem:$0x10080] =	vst v63  }
0xbb: {  	p0 =	sne.s32 s6, $0x1;
	s30 =	sadd.s32 $0xE00, s5  }
0xbc: {  	[hbm4b:s30+s3] =	stream.linear.scatter [tilespmem:s23], [sflag:$0x2], $0x800, $0x38;
	[tilespmem:$0x10080] =	vst v63  }
.Ltmp0:
0xbd: {  	s31 =	sadd.s32 $0xF00, s5;
	(pc) =	sbr.rel @p0 .LBB2_1-.Ltmp0, $4  }
0xbe: {  	[hbm4b:s31+s3] =	stream.linear.scatter [tilespmem:s24], [sflag:$0x2], $0x800, $0x38;
	[tilespmem:$0x10080] =	vst v63  }
0xbf: {  	_ =	swait.ge [sflag:s7], $0x8000  }
0xc0: {  	[sflag:s7] =	ssyncset.done $0x0  }
0xc1: {  	s6 =	sadd.s32 $0xFFFFFFFF, s6;
	[sflag:s7] =	ssyncadd.s32 $0xFFFF8000  }
0xc2: {  	_ =	sfence.sel $0x180000  }
0xc3: {  	[bflag:$0x0] =	sbarrier.arrive $0xFFFF  }
0xc4: {  	p0 =	sne.s32 s0, $0x0;
	_ =	strace $0x9000004A  }
0xc5: {  	s0 =	sadd.s32 @!p0 $0x100000, s2;
	[bflag:$0x2] =	sbarrier.arrive $0xFFFF  }
0xc6: {  	[sflag:s0] =	ssyncadd.tile.s32 @!p0 $0x1;
	_ =	shalt  }
.Lfunc_end2:
_tile_overlayer_lowered:
.L_overlay_start_2:
0xc7: {  	(tag) =	ssettag $0x2  }
0xc8: {  	s0 =	rddreg [dreg:$0x0];
	s2 =	stileid.u32  }
0xc9: {  	s1 =	rddreg [dreg:$0x1];
	p0 =	sne.s32 s2, $0x0  }
0xca: {  	s3 =	rddreg [dreg:$0x2];
	[bflag:$0x3] =	sbarrier.arrive $0xFFFF;
	s2 =	simm.s32 @!p0 $0x1C02  }
0xcb: {  	[timem:s3], [sflag:s2] =	dma.local @!p0 [hbm:s0], s1  }
0xcc: {  	s0 =	simm.s32 @!p0 $0x2  }
0xcd: {  	_ =	swait.ge @!p0 [sflag:s0], s1  }
0xce: {  	s1 =	ssub.s32 @!p0 $0x0, s1;
	[sflag:s0] =	ssyncset.done @!p0 $0x0  }
0xcf: {  	[sflag:s0] =	ssyncadd.s32 @!p0 s1  }
0xd0: {  	[bflag:$0x3] =	sbarrier.arrive $0xFFFF  }
0xd1: {  	_ =	shalt  }

// kernel: kernel.7.cloned.1.call-start
scs
__scs_entry_jumppad:
0x0: {  	(pc) =	sbr.rel $0x88, $3  }
0x1: {  	(tag) =	ssettag $0x0;
	lr =	simm.s32 $0x1  }
0x2: {  	[smem:$0x3F9D] =	sst lr;
	_ =	strace $0xD0000000  }
0x3: {  	_ = 	snop  }
0x4: {  	_ = 	snop  }
0x5: {  	_ = 	snop  }
0x6: {  	_ = 	snop  }
0x7: {  	_ = 	snop  }
__scs_overlays_trampoline_lowered:
0x8: {  	[smem:$0x3FAC] =	sst s0  }
0x9: {  	[smem:$0x3FAD] =	sst s1  }
0xa: {  	[smem:$0x3FAE] =	sst s2  }
0xb: {  	[smem:$0x3FAF] =	sst s3  }
0xc: {  	[smem:$0x3FB0] =	sst s4  }
0xd: {  	[smem:$0x3FB1] =	sst s5  }
0xe: {  	[smem:$0x3FB2] =	sst s6  }
0xf: {  	[smem:$0x3FB3] =	sst s7  }
0x10: {  	[smem:$0x3FB4] =	sst s8  }
0x11: {  	[smem:$0x3FB5] =	sst s9;
	s0 =	simm.s32 @!p0 $0x0  }
0x12: {  	s1 =	sld [smem:$0x3F9B];
	s0 =	simm.s32 @p0 $0x1  }
0x13: {  	[smem:$0x3FB6] =	sst s0;
	s0 =	simm.s32 @!p1 $0x0  }
0x14: {  	s2 =	sld [smem:$0x3F9A];
	s0 =	simm.s32 @p1 $0x1  }
0x15: {  	[smem:$0x3FB7] =	sst s0;
	s0 =	simm.s32 @!p2 $0x0  }
0x16: {  	s3 =	sld [smem:$0x3FDB];
	s0 =	simm.s32 @p2 $0x1  }
0x17: {  	s4 =	simm.s32 $0x1BF5;
	[smem:$0x3FB9] =	sst s0  }
0x18: {  	s0 =	sld [smem:$0x3F9C];
	_ =	swait.ge [sflag:s4], $0x0  }
0x19: {  	s7 =	sld [smem:$0x3F9D]  }
0x1a: {  	s8 =	sadd.s32 $0xFFFFE003, lr  }
0x1b: {  	s9 =	sadd.s32 $0xFFFFFEF7, lr;
	s5 =	simm.s32 $0xFFFFFFFF;
	p2 =	slt.u32 s8, $0xFFFFF086  }
0x1c: {  	p1 =	slt.u32 s9, $0xF7A;
	s5 =	simm.s32 @!p2 $0x0  }
0x1d: {  	s5 =	simm.s32 @p1 $0x1;
	p0 =	seq.s32 s7, s2  }
0x1e: {  	s7 =	smul.u32 @!p0 $0xF7A, s2;
	p2 =	seq.s32 @!p0 s5, $0x0  }
0x1f: {  	s9 =	smul.u32 $0xF7A, s1;
	s8 =	simm.s32 @!p0 $0x1BF5;
	p2 =	por !p2, p0  }
0x20: {  	[sflag:s8] =	ssyncset.s32 @!p0 $0xFFFFF086;
	s6 =	sadd.s32 @!p0 s3, s7;
	s7 =	simm.s32 @!p0 $0x108  }
0x21: {  	s3 =	sadd.s32 s3, s9;
	s6 =	sadd.s32 @!p0 $0x88, s6;
	s7 =	simm.s32 @p2 $0x1082  }
0x22: {  	[simem:s7], [sflag:s8] =	dma.local @!p0 [hbm:s6], $0xF7A  }
0x23: {  	s9 =	sor.u32 $0xD0000000, s2;
	s6 =	simm.s32 $0x108;
	_ =	swait.ge @!p0 [sflag:s8], $0x0  }
0x24: {  	s3 =	sadd.s32 $0x88, s3;
	s6 =	simm.s32 @!p1 $0x1082;
	[sflag:s4] =	ssyncset.s32 $0xFFFFF086  }
0x25: {  	[simem:s6], [sflag:s4] =	dma.local [hbm:s3], $0xF7A  }
0x26: {  	[smem:$0x3F9D] =	sst s1;
	(tag) =	ssettag s2;
	_ =	strace s9  }
0x27: {  	s1 =	sld [smem:$0x3FAD]  }
0x28: {  	s2 =	sld [smem:$0x3FAE]  }
0x29: {  	s4 =	sld [smem:$0x3FB0]  }
0x2a: {  	p0 =	seq.s32 s5, $0x0;
	s5 =	sld [smem:$0x3FB1]  }
0x2b: {  	s6 =	sld [smem:$0x3FB2]  }
0x2c: {  	s7 =	sld [smem:$0x3FB3]  }
0x2d: {  	s3 =	simm.s32 $0x108;
	s8 =	sld [smem:$0x3FB4]  }
0x2e: {  	s3 =	simm.s32 @!p0 $0x1082;
	s9 =	sld [smem:$0x3FB5]  }
0x2f: {  	lr =	sadd.s32 s0, s3;
	s0 =	sld [smem:$0x3FAC]  }
0x30: {  	s3 =	sld [smem:$0x3FAF]  }
0x31: {  	[smem:$0x3FB8] =	sst s10  }
0x32: {  	s10 =	sld [smem:$0x3FB6];
	_ =	sdelay $0x3  }
0x33: {  	p0 =	seq.s32 s10, $0x1;
	s10 =	sld [smem:$0x3FB8];
	_ =	sdelay $0x3  }
0x34: {  	[smem:$0x3FB8] =	sst s10  }
0x35: {  	s10 =	sld [smem:$0x3FB7];
	_ =	sdelay $0x3  }
0x36: {  	p1 =	seq.s32 s10, $0x1;
	s10 =	sld [smem:$0x3FB8];
	_ =	sdelay $0x3  }
0x37: {  	[smem:$0x3FB8] =	sst s10  }
0x38: {  	s10 =	sld [smem:$0x3FB9]  }
0x39: {  	_ = 	snop;
	(pc) =	sbr.ind lr, $3  }
0x3a: {  	_ = 	snop  }
0x3b: {  	_ = 	snop  }
0x3c: {  	p2 =	seq.s32 s10, $0x1;
	s10 =	sld [smem:$0x3FB8]  }
0x3d: {  	_ =	shalt  }
0x3e: {  	_ =	shalt  }
0x3f: {  	_ =	shalt  }
0x40: {  	_ =	shalt  }
0x41: {  	_ =	shalt  }
0x42: {  	_ =	shalt  }
0x43: {  	_ =	shalt  }
0x44: {  	_ =	shalt  }
0x45: {  	_ =	shalt  }
0x46: {  	_ =	shalt  }
0x47: {  	_ =	shalt  }
0x48: {  	_ =	shalt  }
0x49: {  	_ =	shalt  }
0x4a: {  	_ =	shalt  }
0x4b: {  	_ =	shalt  }
0x4c: {  	_ =	shalt  }
0x4d: {  	_ =	shalt  }
0x4e: {  	_ =	shalt  }
0x4f: {  	_ =	shalt  }
0x50: {  	_ =	shalt  }
0x51: {  	_ =	shalt  }
0x52: {  	_ =	shalt  }
0x53: {  	_ =	shalt  }
0x54: {  	_ =	shalt  }
0x55: {  	_ =	shalt  }
0x56: {  	_ =	shalt  }
0x57: {  	_ =	shalt  }
0x58: {  	_ =	shalt  }
0x59: {  	_ =	shalt  }
0x5a: {  	_ =	shalt  }
0x5b: {  	_ =	shalt  }
0x5c: {  	_ =	shalt  }
0x5d: {  	_ =	shalt  }
0x5e: {  	_ =	shalt  }
0x5f: {  	_ =	shalt  }
0x60: {  	_ =	shalt  }
0x61: {  	_ =	shalt  }
0x62: {  	_ =	shalt  }
0x63: {  	_ =	shalt  }
0x64: {  	_ =	shalt  }
0x65: {  	_ =	shalt  }
0x66: {  	_ =	shalt  }
0x67: {  	_ =	shalt  }
0x68: {  	_ =	shalt  }
0x69: {  	_ =	shalt  }
0x6a: {  	_ =	shalt  }
0x6b: {  	_ =	shalt  }
0x6c: {  	_ =	shalt  }
0x6d: {  	_ =	shalt  }
0x6e: {  	_ =	shalt  }
0x6f: {  	_ =	shalt  }
0x70: {  	_ =	shalt  }
0x71: {  	_ =	shalt  }
0x72: {  	_ =	shalt  }
0x73: {  	_ =	shalt  }
0x74: {  	_ =	shalt  }
0x75: {  	_ =	shalt  }
0x76: {  	_ =	shalt  }
0x77: {  	_ =	shalt  }
0x78: {  	_ =	shalt  }
0x79: {  	_ =	shalt  }
0x7a: {  	_ =	shalt  }
0x7b: {  	_ =	shalt  }
0x7c: {  	_ =	shalt  }
0x7d: {  	_ =	shalt  }
0x7e: {  	_ =	shalt  }
0x7f: {  	_ =	shalt  }
0x80: {  	_ =	shalt  }
0x81: {  	_ =	shalt  }
0x82: {  	_ =	shalt  }
0x83: {  	_ =	shalt  }
0x84: {  	_ =	shalt  }
0x85: {  	_ =	shalt  }
0x86: {  	_ =	shalt  }
0x87: {  	_ =	shalt  }
.Lfunc_end0:
.L_simem_size_0:
called_computation_lowered:
.L_overlay_start_0:
0x88: {  	s2 =	sld [smem:$0x3FD9]  }
0x89: {  	s3 =	sld [smem:$0x3FFE];
	_ =	sdelay $0x1  }
0x8a: {  	s1 =	srdreg.scid  }
0x8b: {  	s0 =	sand.u32 $0x1, s1  }
0x8c: {  	s14 =	sshll.u32 s0, $0xA;
	s2 =	sadd.s32 s3, s2  }
0x8d: {  	s2 =	sadd.s32 s2, s14  }
0x8e: {  	[smem:$0x3FC4] =	sst s2  }
0x8f: {  	_ = 	snop  }
0x90: {  	s2 =	sld [smem:$0x3FD0];
	_ =	sdelay $0x2  }
0x91: {  	s4 =	simm.s32 $0xB;
	s5 =	simm.s32 $0x10;
	s15 =	sld [smem:$0x3FC7]  }
0x92: {  	[smem:s5], [sflag:s4] =	dma.local [hbm:s2], $0x1  }
0x93: {  	_ =	swait.eq [sflag:s4], $0x1  }
0x94: {  	[sflag:s4] =	ssyncset.done $0x0  }
0x95: {  	s16 =	sld [smem:$0x10];
	[sflag:s4] =	ssyncadd.s32 $0xFFFFFFFF  }
0x96: {  	s17 =	sld [smem:$0x12];
	(tm) =	ssettm $0x1  }
0x97: {  	s18 =	sld [smem:$0x3FFB];
	_ =	sdelay $0x3  }
0x98: {  	_ =	strace s18  }
0x99: {  	s5 =	sld [smem:$0x3FFC];
	_ =	sdelay $0x3  }
0x9a: {  	_ =	strace s5  }
0x9b: {  	s5 =	sld [smem:$0x3FFD];
	_ =	sdelay $0x3  }
0x9c: {  	_ =	strace s5  }
0x9d: {  	_ =	strace $0x8FFFFFFF  }
0x9e: {  	s19 =	sld [smem:$0x3FDB];
	_ =	sdelay $0x1  }
0x9f: {  	s6 =	simm.s32 $_scs_section_size  }
0xa0: {  	s7 =	simm.s32 $_size__tile_overlayer_lowered;
	s8 =	simm.s32 $_tile_overlayer_lowered  }
0xa1: {  	s22 =	simm.s32 $0x1BFF;
	s21 =	sshll.u32 s8, $0x1;
	s5 =	sadd.s32 s6, s19  }
0xa2: {  	s9 =	simm.s32 $0x0;
	s20 =	sshll.u32 s7, $0x1;
	s7 =	sadd.s32 s21, s5  }
0xa3: {  	[timem:s9], [sflag:s22] =	dma.local [hbm:s7], s20  }
0xa4: {  	_ =	swait.ge [sflag:s22], s20  }
0xa5: {  	s6 =	ssub.s32 $0x0, s20;
	[sflag:s22] =	ssyncset.done $0x0  }
0xa6: {  	[sflag:s22] =	ssyncadd.s32 s6;
	_ =	sdelay $0x1  }
0xa7: {  	s23 =	simm.s32 $0x1B8B  }
0xa8: {  	_ =	swait.ge [sflag:s23], $0x1  }
0xa9: {  	[sflag:s23] =	ssyncset.done $0x0  }
0xaa: {  	s25 =	simm.s32 $0x1B8E;
	s24 =	sld [smem:$0x3FFE];
	[sflag:s23] =	ssyncadd.s32 $0xFFFFFFFF  }
0xab: {  	s26 =	simm.s32 $execute0_lowered;
	[smem:$0x3FD2] =	sst s25  }
0xac: {  	s7 =	sshll.u32 s26, $0x1;
	_ =	strace $0x80000046;
	[dreg:$0x1] =	wrdreg $0xFFFFFFFF  }
0xad: {  	s28 =	simm.s32 $_size_execute0_lowered;
	s5 =	sadd.s32 s5, s7;
	[dreg:$0x0] =	wrdreg $0x0  }
0xae: {  	s7 =	sshll.u32 s28, $0x1;
	[dreg:$0x2] =	wrdreg s5  }
0xaf: {  	[dreg:$0x3] =	wrdreg s7  }
0xb0: {  	[dreg:$0x4] =	wrdreg $0xC0  }
0xb1: {  	_ =	task [dreg:s9], $0x5FFFF  }
0xb2: {  	[dreg:$0x1] =	wrdreg $0xFFFFFFFF  }
0xb3: {  	[dreg:$0x0] =	wrdreg $0x60  }
0xb4: {  	[dreg:$0x2] =	wrdreg s24  }
0xb5: {  	[dreg:$0x3] =	wrdreg s15  }
0xb6: {  	[dreg:$0x4] =	wrdreg s16  }
0xb7: {  	[dreg:$0x5] =	wrdreg s17  }
0xb8: {  	[dreg:$0x6] =	wrdreg $0x9  }
0xb9: {  	_ =	task.clear_ibuf [dreg:s9], $0x7FFFF;
	_ =	strace $0x90000046  }
0xba: {  	s29 =	simm.s32 $0x9;
	_ =	strace $0x80000048  }
0xbb: {  	_ =	swait.ge [sflag:s29], $0x1  }
0xbc: {  	[sflag:s29] =	ssyncadd.s32 $0xFFFFFFFF  }
0xbd: {  	_ =	strace $0x90000048  }
0xbe: {  	_ =	sfence  }
0xbf: {  	s30 =	sld [smem:$0x0];
	_ =	sdelay $0x2  }
0xc0: {  	s31 =	sshll.u32 s1, $0xD;
	s1 =	sshrl.u32 s1, $0x2  }
0xc1: {  	s3 =	sand.u32 $0x4000, s31;
	s1 =	sadd.s32 s1, s30  }
0xc2: {  	s0 =	sor.u32 s3, s0;
	s1 =	sshll.u32 s1, $0x11  }
0xc3: {  	s0 =	sor.u32 s1, s0  }
0xc4: {  	s0 =	sadd.s32 $0x8F2B, s0  }
0xc5: {  	[sflag:s0] =	ssyncadd.remote.s32 $0x1  }
0xc6: {  	_ =	sfence.sel $0xFFFF  }
0xc7: {  	[dreg:$0x0] =	wrdreg $0xFFFFFFFF;
	(pc) =	sbr.abs _section_cstart, $3  }
0xc8: {  	[dreg:$0x1] =	wrdreg $0xFFFFFFFF  }
0xc9: {  	_ =	task.clear_ibuf [dreg:s9], $0x2FFFF;
	_ =	strace $0x9FFFFFFF  }
0xca: {  	(tm) =	ssettm $0x7FFFFFFF  }
0xcb: {  	_ =	shalt  }
tec
execute0_lowered:
.L_overlay_start_1:
0x0: {  	(tag) =	ssettag $0x1  }
0x1: {  	s4 =	rddreg [dreg:$0x0]  }
0x2: {  	s1 =	rddreg [dreg:$0x1]  }
0x3: {  	s2 =	srdreg.scid;
	s5 =	rddreg [dreg:$0x2]  }
0x4: {  	s0 =	stileid.u32;
	s7 =	rddreg [dreg:$0x3]  }
0x5: {  	s3 =	simm.s32 $0x0;
	s6 =	sand.u32 $0x1, s2;
	s2 =	rddreg [dreg:$0x4]  }
0x6: {  	s31 =	simm.s32 $0x880;
	s10 =	simm.s32 $0x1880;
	[smem:$0x7FF] =	sst s3  }
0x7: {  	s11 =	simm.s32 $0x2880;
	_ =	strace $0x80000047;
	[dreg:$0x7] =	wrdreg s31  }
0x8: {  	s12 =	simm.s32 $0x3880;
	s13 =	simm.s32 $0x4880;
	[dreg:$0x8] =	wrdreg s10  }
0x9: {  	s14 =	simm.s32 $0x5880;
	s15 =	simm.s32 $0x6880;
	[dreg:$0x9] =	wrdreg s11  }
0xa: {  	s16 =	simm.s32 $0x7880;
	s17 =	simm.s32 $0x8880;
	[dreg:$0xa] =	wrdreg s12  }
0xb: {  	s18 =	simm.s32 $0x9880;
	s19 =	simm.s32 $0xA880;
	[dreg:$0xb] =	wrdreg s13  }
0xc: {  	s20 =	simm.s32 $0xB880;
	s21 =	simm.s32 $0xC880;
	[dreg:$0xc] =	wrdreg s14  }
0xd: {  	s22 =	simm.s32 $0xD880;
	s23 =	simm.s32 $0xE880;
	[dreg:$0xd] =	wrdreg s15  }
0xe: {  	s24 =	simm.s32 $0xF880;
	s8 =	sshll.u32 s0, $0x8;
	[dreg:$0xe] =	wrdreg s16  }
0xf: {  	s9 =	sshll.u32 s6, $0x7;
	s6 =	ssub.s32 $0x2, s6;
	[dreg:$0xf] =	wrdreg s17  }
0x10: {  	s10 =	simm.s32 $0x2080;
	s11 =	simm.s32 $0x3080;
	[dreg:$0x10] =	wrdreg s18  }
0x11: {  	s12 =	simm.s32 $0x4080;
	s13 =	simm.s32 $0x5080;
	[dreg:$0x11] =	wrdreg s19  }
0x12: {  	s14 =	simm.s32 $0x6080;
	s15 =	simm.s32 $0x7080;
	[dreg:$0x12] =	wrdreg s20  }
0x13: {  	s16 =	simm.s32 $0x8080;
	s17 =	simm.s32 $0x9080;
	[dreg:$0x13] =	wrdreg s21  }
0x14: {  	s18 =	simm.s32 $0xA080;
	s19 =	simm.s32 $0xB080;
	[dreg:$0x14] =	wrdreg s22  }
0x15: {  	s20 =	simm.s32 $0xC080;
	s21 =	simm.s32 $0xD080;
	[dreg:$0x15] =	wrdreg s23  }
0x16: {  	s22 =	simm.s32 $0xE080;
	s23 =	simm.s32 $0xF080;
	[dreg:$0x16] =	wrdreg s24  }
0x17: {  	s24 =	simm.s32 $0x1;
	s8 =	sor.u32 s9, s8;
	s29 =	sshrl.u32 s6, $0x1  }
0x18: {  	s9 =	sshrl.u32 s8, $0x3;
	s6 =	ssub.s32 s6, s29;
	s30 =	sshll.u32 s8, $0x6  }
0x19: {  	s8 =	sshll.u32 s8, $0x5;
	s4 =	sadd.s32 s9, s4;
	s5 =	sadd.s32 s5, s30  }
0x1a: {  	v2 =	vlaneseq.u32;
	s6 =	smax.u32 s6, $0x1;
	s9 =	simm.s32 $0x1080;
	s4 =	sadd.s32 $0xC00, s4  }
0x1b: {  	vm0 =	vmmov $0xffff;
	v1 =	vshrl.u32 v2, $0x3;
	[dreg:$0x6] =	wrdreg s5;
	s5 =	sadd.s32 s7, s8;
	s7 =	simm.s32 $0x2  }
0x1c: {  	v0 =	vand.u32 $0x7, v2;
	v2 =	vor.u32 $0x8, v2;
	v1 =	vmul.u32 $0x8, v1;
	s8 =	simm.s32 $0x80;
	[dreg:$0x5] =	wrdreg s4;
	s4 =	sadd.s32 $0x100, s1  }
.LBB2_1:
0x1d: {  	s25 =	rddreg [dreg:$0x5]  }
0x1e: {  	[tilespmem:s3], [sflag:$0x2] =	stream.linear.gather [hbm4b:s25+s3], $0x80, $0x38;
	[tilespmem:$0x10080] =	vst v63  }
0x1f: {  	_ =	swait.ge [sflag:s7], $0x80  }
0x20: {  	[sflag:s7] =	ssyncset.done $0x0  }
0x21: {  	[sflag:s7] =	ssyncadd.s32 $0xFFFFFF80  }
0x22: {  	v3 =	vld [tilespmem:$0x0];
	_ =	sdelay $0x4  }
0x23: {  	v4 =	vshll.u32 v3, $0x2  }
0x24: {  	v3 =	vand.u32 $0x7, v3;
	v4 =	vand.u32 $0xFFFFFFE0, v4  }
0x25: {  	v3 =	vor.u32 v3, v4  }
0x26: {  	v4 =	vperm.xlane v3, v0;
	_ =	sdelay $0x1  }
0x27: {  	v4 =	vadd.s32 v1, v4;
	_ =	sdelay $0x1  }
0x28: {  	v3 =	vperm.xlane v3, v2;
	_ =	sdelay $0x1  }
0x29: {  	v3 =	vadd.s32 v1, v3  }
0x2a: {  	[tilespmem:s8], [sflag:$0x1] =	stream.indirect_vreg.gather [hbm4b:s1+s3], $0x80, v4, vm0, $0xb8;
	[tilespmem:$0x10080] =	vst v63  }
0x2b: {  	s30 =	rddreg [dreg:$0x7]  }
0x2c: {  	[tilespmem:s30], [sflag:$0x1] =	stream.indirect_vreg.gather [hbm4b:s4+s3], $0x80, v4, vm0, $0xb8;
	[tilespmem:$0x10080] =	vst v63  }
0x2d: {  	_ = 	snop  }
0x2e: {  	[tilespmem:s9], [sflag:$0x1] =	stream.indirect_vreg.gather [hbm4b:s1+s3], $0x80, v3, vm0, $0xb8;
	[tilespmem:$0x10080] =	vst v63  }
0x2f: {  	s31 =	rddreg [dreg:$0x8]  }
0x30: {  	[tilespmem:s31], [sflag:$0x1] =	stream.indirect_vreg.gather [hbm4b:s4+s3], $0x80, v3, vm0, $0xb8;
	[tilespmem:$0x10080] =	vst v63  }
0x31: {  	v3 =	vld [tilespmem:$0x10];
	_ =	sdelay $0x4  }
0x32: {  	v57 =	vshll.u32 v3, $0x2  }
0x33: {  	v3 =	vand.u32 $0x7, v3;
	v4 =	vand.u32 $0xFFFFFFE0, v57  }
0x34: {  	v3 =	vor.u32 v3, v4  }
0x35: {  	v4 =	vperm.xlane v3, v0;
	_ =	sdelay $0x1  }
0x36: {  	v4 =	vadd.s32 v1, v4;
	_ =	sdelay $0x1  }
0x37: {  	v3 =	vperm.xlane v3, v2;
	_ =	sdelay $0x1  }
0x38: {  	v3 =	vadd.s32 v1, v3  }
0x39: {  	[tilespmem:s10], [sflag:$0x1] =	stream.indirect_vreg.gather [hbm4b:s1+s3], $0x80, v4, vm0, $0xb8;
	[tilespmem:$0x10080] =	vst v63  }
0x3a: {  	s26 =	rddreg [dreg:$0x9]  }
0x3b: {  	[tilespmem:s26], [sflag:$0x1] =	stream.indirect_vreg.gather [hbm4b:s4+s3], $0x80, v4, vm0, $0xb8;
	[tilespmem:$0x10080] =	vst v63  }
0x3c: {  	_ = 	snop  }
0x3d: {  	[tilespmem:s11], [sflag:$0x1] =	stream.indirect_vreg.gather [hbm4b:s1+s3], $0x80, v3, vm0, $0xb8;
	[tilespmem:$0x10080] =	vst v63  }
0x3e: {  	s28 =	rddreg [dreg:$0xa]  }
0x3f: {  	[tilespmem:s28], [sflag:$0x1] =	stream.indirect_vreg.gather [hbm4b:s4+s3], $0x80, v3, vm0, $0xb8;
	[tilespmem:$0x10080] =	vst v63  }
0x40: {  	v3 =	vld [tilespmem:$0x20];
	_ =	sdelay $0x4  }
0x41: {  	v58 =	vshll.u32 v3, $0x2  }
0x42: {  	v3 =	vand.u32 $0x7, v3;
	v4 =	vand.u32 $0xFFFFFFE0, v58  }
0x43: {  	v3 =	vor.u32 v3, v4  }
0x44: {  	v4 =	vperm.xlane v3, v0;
	_ =	sdelay $0x1  }
0x45: {  	v4 =	vadd.s32 v1, v4;
	_ =	sdelay $0x1  }
0x46: {  	v3 =	vperm.xlane v3, v2;
	_ =	sdelay $0x1  }
0x47: {  	v3 =	vadd.s32 v1, v3  }
0x48: {  	[tilespmem:s12], [sflag:$0x1] =	stream.indirect_vreg.gather [hbm4b:s1+s3], $0x80, v4, vm0, $0xb8;
	[tilespmem:$0x10080] =	vst v63  }
0x49: {  	s29 =	rddreg [dreg:$0xb]  }
0x4a: {  	[tilespmem:s29], [sflag:$0x1] =	stream.indirect_vreg.gather [hbm4b:s4+s3], $0x80, v4, vm0, $0xb8;
	[tilespmem:$0x10080] =	vst v63  }
0x4b: {  	_ = 	snop  }
0x4c: {  	[tilespmem:s13], [sflag:$0x1] =	stream.indirect_vreg.gather [hbm4b:s1+s3], $0x80, v3, vm0, $0xb8;
	[tilespmem:$0x10080] =	vst v63  }
0x4d: {  	s30 =	rddreg [dreg:$0xc]  }
0x4e: {  	[tilespmem:s30], [sflag:$0x1] =	stream.indirect_vreg.gather [hbm4b:s4+s3], $0x80, v3, vm0, $0xb8;
	[tilespmem:$0x10080] =	vst v63  }
0x4f: {  	v3 =	vld [tilespmem:$0x30];
	_ =	sdelay $0x4  }
0x50: {  	v59 =	vshll.u32 v3, $0x2  }
0x51: {  	v3 =	vand.u32 $0x7, v3;
	v4 =	vand.u32 $0xFFFFFFE0, v59  }
0x52: {  	v3 =	vor.u32 v3, v4  }
0x53: {  	v4 =	vperm.xlane v3, v0;
	_ =	sdelay $0x1  }
0x54: {  	v4 =	vadd.s32 v1, v4;
	_ =	sdelay $0x1  }
0x55: {  	v3 =	vperm.xlane v3, v2;
	_ =	sdelay $0x1  }
0x56: {  	v3 =	vadd.s32 v1, v3  }
0x57: {  	[tilespmem:s14], [sflag:$0x1] =	stream.indirect_vreg.gather [hbm4b:s1+s3], $0x80, v4, vm0, $0xb8;
	[tilespmem:$0x10080] =	vst v63  }
0x58: {  	s31 =	rddreg [dreg:$0xd]  }
0x59: {  	[tilespmem:s31], [sflag:$0x1] =	stream.indirect_vreg.gather [hbm4b:s4+s3], $0x80, v4, vm0, $0xb8;
	[tilespmem:$0x10080] =	vst v63  }
0x5a: {  	_ = 	snop  }
0x5b: {  	[tilespmem:s15], [sflag:$0x1] =	stream.indirect_vreg.gather [hbm4b:s1+s3], $0x80, v3, vm0, $0xb8;
	[tilespmem:$0x10080] =	vst v63  }
0x5c: {  	s26 =	rddreg [dreg:$0xe]  }
0x5d: {  	[tilespmem:s26], [sflag:$0x1] =	stream.indirect_vreg.gather [hbm4b:s4+s3], $0x80, v3, vm0, $0xb8;
	[tilespmem:$0x10080] =	vst v63  }
0x5e: {  	v3 =	vld [tilespmem:$0x40];
	_ =	sdelay $0x4  }
0x5f: {  	v60 =	vshll.u32 v3, $0x2  }
0x60: {  	v3 =	vand.u32 $0x7, v3;
	v4 =	vand.u32 $0xFFFFFFE0, v60  }
0x61: {  	v3 =	vor.u32 v3, v4  }
0x62: {  	v4 =	vperm.xlane v3, v0;
	_ =	sdelay $0x1  }
0x63: {  	v4 =	vadd.s32 v1, v4;
	_ =	sdelay $0x1  }
0x64: {  	v3 =	vperm.xlane v3, v2;
	_ =	sdelay $0x1  }
0x65: {  	v3 =	vadd.s32 v1, v3  }
0x66: {  	[tilespmem:s16], [sflag:$0x1] =	stream.indirect_vreg.gather [hbm4b:s1+s3], $0x80, v4, vm0, $0xb8;
	[tilespmem:$0x10080] =	vst v63  }
0x67: {  	s28 =	rddreg [dreg:$0xf]  }
0x68: {  	[tilespmem:s28], [sflag:$0x1] =	stream.indirect_vreg.gather [hbm4b:s4+s3], $0x80, v4, vm0, $0xb8;
	[tilespmem:$0x10080] =	vst v63  }
0x69: {  	_ = 	snop  }
0x6a: {  	[tilespmem:s17], [sflag:$0x1] =	stream.indirect_vreg.gather [hbm4b:s1+s3], $0x80, v3, vm0, $0xb8;
	[tilespmem:$0x10080] =	vst v63  }
0x6b: {  	s29 =	rddreg [dreg:$0x10]  }
0x6c: {  	[tilespmem:s29], [sflag:$0x1] =	stream.indirect_vreg.gather [hbm4b:s4+s3], $0x80, v3, vm0, $0xb8;
	[tilespmem:$0x10080] =	vst v63  }
0x6d: {  	v3 =	vld [tilespmem:$0x50];
	_ =	sdelay $0x4  }
0x6e: {  	v61 =	vshll.u32 v3, $0x2  }
0x6f: {  	v3 =	vand.u32 $0x7, v3;
	v4 =	vand.u32 $0xFFFFFFE0, v61  }
0x70: {  	v3 =	vor.u32 v3, v4  }
0x71: {  	v4 =	vperm.xlane v3, v0;
	_ =	sdelay $0x1  }
0x72: {  	v4 =	vadd.s32 v1, v4;
	_ =	sdelay $0x1  }
0x73: {  	v3 =	vperm.xlane v3, v2;
	_ =	sdelay $0x1  }
0x74: {  	v3 =	vadd.s32 v1, v3  }
0x75: {  	[tilespmem:s18], [sflag:$0x1] =	stream.indirect_vreg.gather [hbm4b:s1+s3], $0x80, v4, vm0, $0xb8;
	[tilespmem:$0x10080] =	vst v63  }
0x76: {  	s30 =	rddreg [dreg:$0x11]  }
0x77: {  	[tilespmem:s30], [sflag:$0x1] =	stream.indirect_vreg.gather [hbm4b:s4+s3], $0x80, v4, vm0, $0xb8;
	[tilespmem:$0x10080] =	vst v63  }
0x78: {  	_ = 	snop  }
0x79: {  	[tilespmem:s19], [sflag:$0x1] =	stream.indirect_vreg.gather [hbm4b:s1+s3], $0x80, v3, vm0, $0xb8;
	[tilespmem:$0x10080] =	vst v63  }
0x7a: {  	s31 =	rddreg [dreg:$0x12]  }
0x7b: {  	[tilespmem:s31], [sflag:$0x1] =	stream.indirect_vreg.gather [hbm4b:s4+s3], $0x80, v3, vm0, $0xb8;
	[tilespmem:$0x10080] =	vst v63  }
0x7c: {  	v3 =	vld [tilespmem:$0x60];
	_ =	sdelay $0x4  }
0x7d: {  	v62 =	vshll.u32 v3, $0x2  }
0x7e: {  	v3 =	vand.u32 $0x7, v3;
	v4 =	vand.u32 $0xFFFFFFE0, v62  }
0x7f: {  	v3 =	vor.u32 v3, v4  }
0x80: {  	v4 =	vperm.xlane v3, v0;
	_ =	sdelay $0x1  }
0x81: {  	v4 =	vadd.s32 v1, v4;
	_ =	sdelay $0x1  }
0x82: {  	v3 =	vperm.xlane v3, v2;
	_ =	sdelay $0x1  }
0x83: {  	v3 =	vadd.s32 v1, v3  }
0x84: {  	[tilespmem:s20], [sflag:$0x1] =	stream.indirect_vreg.gather [hbm4b:s1+s3], $0x80, v4, vm0, $0xb8;
	[tilespmem:$0x10080] =	vst v63  }
0x85: {  	s26 =	rddreg [dreg:$0x13]  }
0x86: {  	[tilespmem:s26], [sflag:$0x1] =	stream.indirect_vreg.gather [hbm4b:s4+s3], $0x80, v4, vm0, $0xb8;
	[tilespmem:$0x10080] =	vst v63  }
0x87: {  	_ = 	snop  }
0x88: {  	[tilespmem:s21], [sflag:$0x1] =	stream.indirect_vreg.gather [hbm4b:s1+s3], $0x80, v3, vm0, $0xb8;
	[tilespmem:$0x10080] =	vst v63  }
0x89: {  	s28 =	rddreg [dreg:$0x14]  }
0x8a: {  	[tilespmem:s28], [sflag:$0x1] =	stream.indirect_vreg.gather [hbm4b:s4+s3], $0x80, v3, vm0, $0xb8;
	[tilespmem:$0x10080] =	vst v63  }
0x8b: {  	v3 =	vld [tilespmem:$0x70];
	_ =	sdelay $0x4  }
0x8c: {  	v63 =	vshll.u32 v3, $0x2  }
0x8d: {  	v3 =	vand.u32 $0x7, v3;
	v4 =	vand.u32 $0xFFFFFFE0, v63  }
0x8e: {  	v3 =	vor.u32 v3, v4  }
0x8f: {  	v4 =	vperm.xlane v3, v0;
	_ =	sdelay $0x1  }
0x90: {  	v4 =	vadd.s32 v1, v4;
	_ =	sdelay $0x1  }
0x91: {  	v3 =	vperm.xlane v3, v2;
	_ =	sdelay $0x1  }
0x92: {  	v3 =	vadd.s32 v1, v3  }
0x93: {  	[tilespmem:s22], [sflag:$0x1] =	stream.indirect_vreg.gather [hbm4b:s1+s3], $0x80, v4, vm0, $0xb8;
	[tilespmem:$0x10080] =	vst v63  }
0x94: {  	s29 =	rddreg [dreg:$0x15]  }
0x95: {  	[tilespmem:s29], [sflag:$0x1] =	stream.indirect_vreg.gather [hbm4b:s4+s3], $0x80, v4, vm0, $0xb8;
	[tilespmem:$0x10080] =	vst v63  }
0x96: {  	_ = 	snop  }
0x97: {  	[tilespmem:s23], [sflag:$0x1] =	stream.indirect_vreg.gather [hbm4b:s1+s3], $0x80, v3, vm0, $0xb8;
	[tilespmem:$0x10080] =	vst v63  }
0x98: {  	s30 =	rddreg [dreg:$0x16]  }
0x99: {  	[tilespmem:s30], [sflag:$0x1] =	stream.indirect_vreg.gather [hbm4b:s4+s3], $0x80, v3, vm0, $0xb8;
	[tilespmem:$0x10080] =	vst v63  }
0x9a: {  	_ =	swait.ge [sflag:s24], $0x10000  }
0x9b: {  	[sflag:s24] =	ssyncset.done $0x0  }
0x9c: {  	s31 =	rddreg [dreg:$0x6];
	[sflag:s24] =	ssyncadd.s32 $0xFFFF0000  }
0x9d: {  	[hbm4b:s31+s3] =	stream.linear.scatter [tilespmem:s8], [sflag:$0x2], $0x10000, $0x38;
	[tilespmem:$0x10080] =	vst v63  }
0x9e: {  	_ =	swait.ge [sflag:s7], $0x10000  }
0x9f: {  	[sflag:s7] =	ssyncset.done $0x0  }
0xa0: {  	[sflag:s7] =	ssyncadd.s32 $0xFFFF0000  }
0xa1: {  	[hbm4b:s5+s3] =	stream.linear.scatter [tilespmem:s8], [sflag:$0x2], $0x800, $0x38;
	[tilespmem:$0x10080] =	vst v63  }
0xa2: {  	s26 =	sadd.s32 $0x100, s5  }
0xa3: {  	[hbm4b:s26+s3] =	stream.linear.scatter [tilespmem:s9], [sflag:$0x2], $0x800, $0x38;
	[tilespmem:$0x10080] =	vst v63  }
0xa4: {  	s28 =	sadd.s32 $0x200, s5  }
0xa5: {  	[hbm4b:s28+s3] =	stream.linear.scatter [tilespmem:s10], [sflag:$0x2], $0x800, $0x38;
	[tilespmem:$0x10080] =	vst v63  }
0xa6: {  	s29 =	sadd.s32 $0x300, s5  }
0xa7: {  	[hbm4b:s29+s3] =	stream.linear.scatter [tilespmem:s11], [sflag:$0x2], $0x800, $0x38;
	[tilespmem:$0x10080] =	vst v63  }
0xa8: {  	s30 =	sadd.s32 $0x400, s5  }
0xa9: {  	[hbm4b:s30+s3] =	stream.linear.scatter [tilespmem:s12], [sflag:$0x2], $0x800, $0x38;
	[tilespmem:$0x10080] =	vst v63  }
0xaa: {  	s31 =	sadd.s32 $0x500, s5  }
0xab: {  	[hbm4b:s31+s3] =	stream.linear.scatter [tilespmem:s13], [sflag:$0x2], $0x800, $0x38;
	[tilespmem:$0x10080] =	vst v63  }
0xac: {  	s26 =	sadd.s32 $0x600, s5  }
0xad: {  	[hbm4b:s26+s3] =	stream.linear.scatter [tilespmem:s14], [sflag:$0x2], $0x800, $0x38;
	[tilespmem:$0x10080] =	vst v63  }
0xae: {  	s28 =	sadd.s32 $0x700, s5  }
0xaf: {  	[hbm4b:s28+s3] =	stream.linear.scatter [tilespmem:s15], [sflag:$0x2], $0x800, $0x38;
	[tilespmem:$0x10080] =	vst v63  }
0xb0: {  	s29 =	sadd.s32 $0x800, s5  }
0xb1: {  	[hbm4b:s29+s3] =	stream.linear.scatter [tilespmem:s16], [sflag:$0x2], $0x800, $0x38;
	[tilespmem:$0x10080] =	vst v63  }
0xb2: {  	s30 =	sadd.s32 $0x900, s5  }
0xb3: {  	[hbm4b:s30+s3] =	stream.linear.scatter [tilespmem:s17], [sflag:$0x2], $0x800, $0x38;
	[tilespmem:$0x10080] =	vst v63  }
0xb4: {  	s31 =	sadd.s32 $0xA00, s5  }
0xb5: {  	[hbm4b:s31+s3] =	stream.linear.scatter [tilespmem:s18], [sflag:$0x2], $0x800, $0x38;
	[tilespmem:$0x10080] =	vst v63  }
0xb6: {  	s26 =	sadd.s32 $0xB00, s5  }
0xb7: {  	[hbm4b:s26+s3] =	stream.linear.scatter [tilespmem:s19], [sflag:$0x2], $0x800, $0x38;
	[tilespmem:$0x10080] =	vst v63  }
0xb8: {  	s28 =	sadd.s32 $0xC00, s5  }
0xb9: {  	[hbm4b:s28+s3] =	stream.linear.scatter [tilespmem:s20], [sflag:$0x2], $0x800, $0x38;
	[tilespmem:$0x10080] =	vst v63  }
0xba: {  	s29 =	sadd.s32 $0xD00, s5  }
0xbb: {  	[hbm4b:s29+s3] =	stream.linear.scatter [tilespmem:s21], [sflag:$0x2], $0x800, $0x38;
	[tilespmem:$0x10080] =	vst v63  }
0xbc: {  	p0 =	sne.s32 s6, $0x1;
	s30 =	sadd.s32 $0xE00, s5  }
0xbd: {  	[hbm4b:s30+s3] =	stream.linear.scatter [tilespmem:s22], [sflag:$0x2], $0x800, $0x38;
	[tilespmem:$0x10080] =	vst v63  }
.Ltmp0:
0xbe: {  	s31 =	sadd.s32 $0xF00, s5;
	(pc) =	sbr.rel @p0 .LBB2_1-.Ltmp0, $4  }
0xbf: {  	[hbm4b:s31+s3] =	stream.linear.scatter [tilespmem:s23], [sflag:$0x2], $0x800, $0x38;
	[tilespmem:$0x10080] =	vst v63  }
0xc0: {  	_ =	swait.ge [sflag:s7], $0x8000  }
0xc1: {  	[sflag:s7] =	ssyncset.done $0x0  }
0xc2: {  	s6 =	sadd.s32 $0xFFFFFFFF, s6;
	[sflag:s7] =	ssyncadd.s32 $0xFFFF8000  }
0xc3: {  	_ =	sfence.sel $0x180000  }
0xc4: {  	[bflag:$0x0] =	sbarrier.arrive $0xFFFF  }
0xc5: {  	p0 =	sne.s32 s0, $0x0;
	_ =	strace $0x90000047  }
0xc6: {  	s0 =	sadd.s32 @!p0 $0x100000, s2;
	[bflag:$0x2] =	sbarrier.arrive $0xFFFF  }
0xc7: {  	[sflag:s0] =	ssyncadd.tile.s32 @!p0 $0x1;
	_ =	shalt  }
.Lfunc_end2:
_tile_overlayer_lowered:
.L_overlay_start_2:
0xc8: {  	(tag) =	ssettag $0x2  }
0xc9: {  	s0 =	rddreg [dreg:$0x0];
	s2 =	stileid.u32  }
0xca: {  	s1 =	rddreg [dreg:$0x1];
	p0 =	sne.s32 s2, $0x0  }
0xcb: {  	s3 =	rddreg [dreg:$0x2];
	[bflag:$0x3] =	sbarrier.arrive $0xFFFF;
	s2 =	simm.s32 @!p0 $0x1C02  }
0xcc: {  	[timem:s3], [sflag:s2] =	dma.local @!p0 [hbm:s0], s1  }
0xcd: {  	s0 =	simm.s32 @!p0 $0x2  }
0xce: {  	_ =	swait.ge @!p0 [sflag:s0], s1  }
0xcf: {  	s1 =	ssub.s32 @!p0 $0x0, s1;
	[sflag:s0] =	ssyncset.done @!p0 $0x0  }
0xd0: {  	[sflag:s0] =	ssyncadd.s32 @!p0 s1  }
0xd1: {  	[bflag:$0x3] =	sbarrier.arrive $0xFFFF  }
0xd2: {  	_ =	shalt  }

</sc_bundles>
